<compile_context>
chip_gen: v7x
topology: tpu7x:2x2x1
jax: 0.10.2.dev20260603
libtpu: 0.0.44.dev20260713+nightly
codegen_flags: <defaults>
</compile_context>

<pallas_src>
import functools

import jax
import jax.numpy as jnp
from jax import lax
from jax.experimental import pallas as pl
from jax.experimental.pallas import tpu as pltpu
from jax.experimental.pallas import tpu_sc as plsc

ROWS = 4
COLS = 2048
EMB_DIM = 768
NUM_WORKERS = 32
W_PER_ROW = NUM_WORKERS // ROWS
B_PER_W = COLS // W_PER_ROW
CHUNK = 32
NBUF = 4
NCHUNKS = B_PER_W // CHUNK

_mesh = plsc.VectorSubcoreMesh(core_axis_name="c", subcore_axis_name="s")


@functools.partial(
    pl.kernel,
    mesh=_mesh,
    out_type=jax.ShapeDtypeStruct((ROWS, COLS, EMB_DIM), jnp.float32),
    scratch_types=[
        pltpu.VMEM((B_PER_W,), jnp.int32),
        pltpu.VMEM((NBUF, CHUNK, EMB_DIM), jnp.float32),
        pltpu.SemaphoreType.DMA,
        pltpu.SemaphoreType.DMA,
    ],
)
def _emb_lookup(table_hbm, idx_hbm, out_hbm, idx_v, rows_v, gsem, wsem):
    wid = lax.axis_index("s") * 2 + lax.axis_index("c")
    r = wid // W_PER_ROW
    c0 = (wid % W_PER_ROW) * B_PER_W
    pltpu.sync_copy(idx_hbm.at[r, pl.ds(c0, B_PER_W)], idx_v)
    g = [None] * NCHUNKS
    w = [None] * NCHUNKS
    for ci in range(NBUF):
        g[ci] = pltpu.async_copy(
            table_hbm.at[idx_v.at[pl.ds(ci * CHUNK, CHUNK)]],
            rows_v.at[ci], gsem)
    for ci in range(NCHUNKS):
        g[ci].wait()
        w[ci] = pltpu.async_copy(
            rows_v.at[ci % NBUF],
            out_hbm.at[r, pl.ds(c0 + ci * CHUNK, CHUNK)], wsem)
        nx = ci - 1 + NBUF
        if ci >= 1 and nx < NCHUNKS:
            w[ci - 1].wait()
            g[nx] = pltpu.async_copy(
                table_hbm.at[idx_v.at[pl.ds(nx * CHUNK, CHUNK)]],
                rows_v.at[nx % NBUF], gsem)
    for ci in range(max(0, NCHUNKS - NBUF), NCHUNKS):
        w[ci].wait()


def kernel(x, table):
    return _emb_lookup(table, x.astype(jnp.int32))

# --- scband reference (transcript-rebuilt; emitter-appended) ---
"""Pipeline reference for scband-embedding-8426725834933 (READ-ONLY COPY).

The authoritative reference and input builder live on the scoring server;
editing this copy changes nothing except your own understanding.
"""

import jax, jax.numpy as jnp
import numpy as np

VOCAB = 50257
EMB_DIM = 768

def setup_inputs(seed: int = 0) -> dict:
    key = jax.random.key(seed)
    k1, k2 = jax.random.split(key)
    x = jax.random.randint(k1, (4, 2048), 0, VOCAB, dtype=jnp.int64 if jax.config.jax_enable_x64 else jnp.int32)
    table = jax.random.normal(k2, (VOCAB, EMB_DIM), dtype=jnp.float32)
    return {"x": x, "table": table}

def reference(x, table):
    # nn.Embedding forward: gather rows of the embedding table by token id
    out = jnp.take(table, x, axis=0)
    return out

if __name__ == "__main__":
    import jax
    _d = setup_inputs()
    print(jax.jit(kernel)(*tuple(_d.values())))

</pallas_src>

<mosaic_0001>
#map = affine_map<(d0, d1) -> (0, 0)>
#map1 = affine_map<(d0, d1) -> (0, 0, 0)>
module attributes {stable_mosaic.version = 14 : i64} {
  func.func @_emb_lookup(%arg0: i32, %arg1: i32, %arg2: memref<50257x768xf32, #tpu.memory_space<hbm>>, %arg3: memref<4x2048xi32, #tpu.memory_space<hbm>>, %arg4: memref<4x2048x768xf32, #tpu.memory_space<hbm>>, %arg5: memref<256xi32, #tpu.memory_space<vmem>>, %arg6: memref<4x32x768xf32, #tpu.memory_space<vmem>>, %arg7: memref<!tpu.dma_semaphore, #tpu.memory_space<semaphore_mem>>, %arg8: memref<!tpu.dma_semaphore, #tpu.memory_space<semaphore_mem>>) attributes {dimension_semantics = [#tpu.dimension_semantics<core_parallel>, #tpu.dimension_semantics<subcore_parallel>], iteration_bounds = array<i64: 2, 16>, scalar_prefetch = 0 : i64, scratch_operands = 4 : i64, tpu.core_type = #tpu.core_type<sc_vector_subcore>, window_params = [{transform_indices = #map}, {transform_indices = #map}, {transform_indices = #map1}]} {
    %mul3A = arith.constant 2 : i32
    %mul3A_0 = arith.muli %arg1, %mul3A : i32
    %add3A = arith.addi %mul3A_0, %arg0 : i32
    %jit3A = arith.constant 8 : i32
    %div3A = arith.divsi %add3A, %jit3A : i32
    %sign3A = arith.constant 0 : i32
    %sign3A_1 = arith.cmpi sgt, %add3A, %sign3A : i32
    %sign3A_2 = arith.extui %sign3A_1 : i1 to i32
    %sign3A_3 = arith.constant 0 : i32
    %sign3A_4 = arith.cmpi slt, %add3A, %sign3A_3 : i32
    %sign3A_5 = arith.extui %sign3A_4 : i1 to i32
    %sign3A_6 = arith.subi %sign3A_2, %sign3A_5 : i32
    %sign3A_7 = arith.constant 0 : i32
    %sign3A_8 = arith.cmpi sgt, %jit3A, %sign3A_7 : i32
    %sign3A_9 = arith.extui %sign3A_8 : i1 to i32
    %sign3A_10 = arith.constant 0 : i32
    %sign3A_11 = arith.cmpi slt, %jit3A, %sign3A_10 : i32
    %sign3A_12 = arith.extui %sign3A_11 : i1 to i32
    %sign3A_13 = arith.subi %sign3A_9, %sign3A_12 : i32
    %ne3A = arith.cmpi ne, %sign3A_6, %sign3A_13 : i32
    %rem3A = arith.remsi %add3A, %jit3A : i32
    %ne3A_14 = arith.constant 0 : i32
    %ne3A_15 = arith.cmpi ne, %rem3A, %ne3A_14 : i32
    %and3A = arith.andi %ne3A, %ne3A_15 : i1
    %sub3A = arith.constant 1 : i32
    %sub3A_16 = arith.subi %div3A, %sub3A : i32
    %select_n3A = arith.select %and3A, %sub3A_16, %div3A : i32
    %jit3A_17 = arith.constant 8 : i32
    %eq3A = arith.constant 0 : i32
    %eq3A_18 = arith.cmpi eq, %jit3A_17, %eq3A : i32
    %jit3A_19 = arith.constant 1 : i32
    %select_n3A_20 = arith.select %eq3A_18, %jit3A_19, %jit3A_17 : i32
    %rem3A_21 = arith.remsi %add3A, %select_n3A_20 : i32
    %ne3A_22 = arith.constant 0 : i32
    %ne3A_23 = arith.cmpi ne, %rem3A_21, %ne3A_22 : i32
    %lt3A = arith.constant 0 : i32
    %lt3A_24 = arith.cmpi slt, %rem3A_21, %lt3A : i32
    %lt3A_25 = arith.constant 0 : i32
    %lt3A_26 = arith.cmpi slt, %select_n3A_20, %lt3A_25 : i32
    %ne3A_27 = arith.xori %lt3A_24, %lt3A_26 : i1
    %and3A_28 = arith.andi %ne3A_27, %ne3A_23 : i1
    %add3A_29 = arith.addi %rem3A_21, %select_n3A_20 : i32
    %select_n3A_30 = arith.select %and3A_28, %add3A_29, %rem3A_21 : i32
    %mul3A_31 = arith.constant 256 : i32
    %mul3A_32 = arith.muli %select_n3A_30, %mul3A_31 : i32
    "tpu.region"() ({
      %run_scoped3A = tpu.sem_alloc : memref<!tpu.dma_semaphore, #tpu.memory_space<semaphore_mem>>
      %dma_start3A_447 = tpu.memref_slice %arg3[%select_n3A, %mul3A_32] : memref<4x2048xi32, #tpu.memory_space<hbm>> -> memref<1x256xi32, #tpu.memory_space<hbm>>
      %dma_start3A_448 = tpu.memref_squeeze %dma_start3A_447 : memref<1x256xi32, #tpu.memory_space<hbm>> -> memref<256xi32, #tpu.memory_space<hbm>>
      %dma_start3A_449 = tpu.memref_slice %arg3[%select_n3A, %mul3A_32] : memref<4x2048xi32, #tpu.memory_space<hbm>> -> memref<1x256xi32, #tpu.memory_space<hbm>>
      %dma_start3A_450 = tpu.memref_squeeze %dma_start3A_449 : memref<1x256xi32, #tpu.memory_space<hbm>> -> memref<256xi32, #tpu.memory_space<hbm>>
      tpu.enqueue_dma source(%dma_start3A_450 : memref<256xi32, #tpu.memory_space<hbm>>) target(%arg5 : memref<256xi32, #tpu.memory_space<vmem>>) target_semaphore(%run_scoped3A : memref<!tpu.dma_semaphore, #tpu.memory_space<semaphore_mem>>)
      %dma_wait3A_451 = tpu.memref_slice %arg3[%select_n3A, %mul3A_32] : memref<4x2048xi32, #tpu.memory_space<hbm>> -> memref<1x256xi32, #tpu.memory_space<hbm>>
      %dma_wait3A_452 = tpu.memref_squeeze %dma_wait3A_451 : memref<1x256xi32, #tpu.memory_space<hbm>> -> memref<256xi32, #tpu.memory_space<hbm>>
      %dma_wait3A_453 = tpu.memref_slice %arg3[%select_n3A, %mul3A_32] : memref<4x2048xi32, #tpu.memory_space<hbm>> -> memref<1x256xi32, #tpu.memory_space<hbm>>
      %dma_wait3A_454 = tpu.memref_squeeze %dma_wait3A_453 : memref<1x256xi32, #tpu.memory_space<hbm>> -> memref<256xi32, #tpu.memory_space<hbm>>
      tpu.wait_dma2 semaphore(%run_scoped3A : memref<!tpu.dma_semaphore, #tpu.memory_space<semaphore_mem>>) src(%dma_wait3A_454 : memref<256xi32, #tpu.memory_space<hbm>>) dst(%arg5 : memref<256xi32, #tpu.memory_space<vmem>>)
      tpu.yield
    }) : () -> ()
    %dma_start3A = arith.constant 0 : i32
    %dma_start3A_33 = arith.constant 0 : i32
    %dma_start3A_34 = arith.constant 0 : i32
    %dma_start3A_35 = tpu.memref_slice %arg6[%dma_start3A, %dma_start3A_33, %dma_start3A_34] : memref<4x32x768xf32, #tpu.memory_space<vmem>> -> memref<1x32x768xf32, #tpu.memory_space<vmem>>
    %dma_start3A_36 = tpu.memref_squeeze %dma_start3A_35 : memref<1x32x768xf32, #tpu.memory_space<vmem>> -> memref<32x768xf32, #tpu.memory_space<vmem>>
    %dma_start3A_37 = arith.constant 0 : i32
    %dma_start3A_38 = tpu.memref_slice %arg5[%dma_start3A_37] : memref<256xi32, #tpu.memory_space<vmem>> -> memref<32xi32, #tpu.memory_space<vmem>>
    %dma_start3A_39 = arith.constant 0 : i32
    %dma_start3A_40 = arith.constant 0 : i32
    %dma_start3A_41 = tpu.memref_slice %arg2[%dma_start3A_39, %dma_start3A_40] : memref<50257x768xf32, #tpu.memory_space<hbm>> -> memref<50257x768xf32, #tpu.memory_space<hbm>>
    tpu.enqueue_indirect_dma source(%dma_start3A_41 : memref<50257x768xf32, #tpu.memory_space<hbm>>) target(%dma_start3A_36 : memref<32x768xf32, #tpu.memory_space<vmem>>) offsets(%dma_start3A_38 : memref<32xi32, #tpu.memory_space<vmem>>) semaphore(%arg7 : memref<!tpu.dma_semaphore, #tpu.memory_space<semaphore_mem>>)
    %dma_start3A_42 = arith.constant 1 : i32
    %dma_start3A_43 = arith.constant 0 : i32
    %dma_start3A_44 = arith.constant 0 : i32
    %dma_start3A_45 = tpu.memref_slice %arg6[%dma_start3A_42, %dma_start3A_43, %dma_start3A_44] : memref<4x32x768xf32, #tpu.memory_space<vmem>> -> memref<1x32x768xf32, #tpu.memory_space<vmem>>
    %dma_start3A_46 = tpu.memref_squeeze %dma_start3A_45 : memref<1x32x768xf32, #tpu.memory_space<vmem>> -> memref<32x768xf32, #tpu.memory_space<vmem>>
    %dma_start3A_47 = arith.constant 32 : i32
    %dma_start3A_48 = tpu.memref_slice %arg5[%dma_start3A_47] : memref<256xi32, #tpu.memory_space<vmem>> -> memref<32xi32, #tpu.memory_space<vmem>>
    %dma_start3A_49 = arith.constant 0 : i32
    %dma_start3A_50 = arith.constant 0 : i32
    %dma_start3A_51 = tpu.memref_slice %arg2[%dma_start3A_49, %dma_start3A_50] : memref<50257x768xf32, #tpu.memory_space<hbm>> -> memref<50257x768xf32, #tpu.memory_space<hbm>>
    tpu.enqueue_indirect_dma source(%dma_start3A_51 : memref<50257x768xf32, #tpu.memory_space<hbm>>) target(%dma_start3A_46 : memref<32x768xf32, #tpu.memory_space<vmem>>) offsets(%dma_start3A_48 : memref<32xi32, #tpu.memory_space<vmem>>) semaphore(%arg7 : memref<!tpu.dma_semaphore, #tpu.memory_space<semaphore_mem>>)
    %dma_start3A_52 = arith.constant 2 : i32
    %dma_start3A_53 = arith.constant 0 : i32
    %dma_start3A_54 = arith.constant 0 : i32
    %dma_start3A_55 = tpu.memref_slice %arg6[%dma_start3A_52, %dma_start3A_53, %dma_start3A_54] : memref<4x32x768xf32, #tpu.memory_space<vmem>> -> memref<1x32x768xf32, #tpu.memory_space<vmem>>
    %dma_start3A_56 = tpu.memref_squeeze %dma_start3A_55 : memref<1x32x768xf32, #tpu.memory_space<vmem>> -> memref<32x768xf32, #tpu.memory_space<vmem>>
    %dma_start3A_57 = arith.constant 64 : i32
    %dma_start3A_58 = tpu.memref_slice %arg5[%dma_start3A_57] : memref<256xi32, #tpu.memory_space<vmem>> -> memref<32xi32, #tpu.memory_space<vmem>>
    %dma_start3A_59 = arith.constant 0 : i32
    %dma_start3A_60 = arith.constant 0 : i32
    %dma_start3A_61 = tpu.memref_slice %arg2[%dma_start3A_59, %dma_start3A_60] : memref<50257x768xf32, #tpu.memory_space<hbm>> -> memref<50257x768xf32, #tpu.memory_space<hbm>>
    tpu.enqueue_indirect_dma source(%dma_start3A_61 : memref<50257x768xf32, #tpu.memory_space<hbm>>) target(%dma_start3A_56 : memref<32x768xf32, #tpu.memory_space<vmem>>) offsets(%dma_start3A_58 : memref<32xi32, #tpu.memory_space<vmem>>) semaphore(%arg7 : memref<!tpu.dma_semaphore, #tpu.memory_space<semaphore_mem>>)
    %dma_start3A_62 = arith.constant 3 : i32
    %dma_start3A_63 = arith.constant 0 : i32
    %dma_start3A_64 = arith.constant 0 : i32
    %dma_start3A_65 = tpu.memref_slice %arg6[%dma_start3A_62, %dma_start3A_63, %dma_start3A_64] : memref<4x32x768xf32, #tpu.memory_space<vmem>> -> memref<1x32x768xf32, #tpu.memory_space<vmem>>
    %dma_start3A_66 = tpu.memref_squeeze %dma_start3A_65 : memref<1x32x768xf32, #tpu.memory_space<vmem>> -> memref<32x768xf32, #tpu.memory_space<vmem>>
    %dma_start3A_67 = arith.constant 96 : i32
    %dma_start3A_68 = tpu.memref_slice %arg5[%dma_start3A_67] : memref<256xi32, #tpu.memory_space<vmem>> -> memref<32xi32, #tpu.memory_space<vmem>>
    %dma_start3A_69 = arith.constant 0 : i32
    %dma_start3A_70 = arith.constant 0 : i32
    %dma_start3A_71 = tpu.memref_slice %arg2[%dma_start3A_69, %dma_start3A_70] : memref<50257x768xf32, #tpu.memory_space<hbm>> -> memref<50257x768xf32, #tpu.memory_space<hbm>>
    tpu.enqueue_indirect_dma source(%dma_start3A_71 : memref<50257x768xf32, #tpu.memory_space<hbm>>) target(%dma_start3A_66 : memref<32x768xf32, #tpu.memory_space<vmem>>) offsets(%dma_start3A_68 : memref<32xi32, #tpu.memory_space<vmem>>) semaphore(%arg7 : memref<!tpu.dma_semaphore, #tpu.memory_space<semaphore_mem>>)
    %dma_wait3A = arith.constant 0 : i32
    %dma_wait3A_72 = arith.constant 0 : i32
    %dma_wait3A_73 = arith.constant 0 : i32
    %dma_wait3A_74 = tpu.memref_slice %arg6[%dma_wait3A, %dma_wait3A_72, %dma_wait3A_73] : memref<4x32x768xf32, #tpu.memory_space<vmem>> -> memref<1x32x768xf32, #tpu.memory_space<vmem>>
    %dma_wait3A_75 = tpu.memref_squeeze %dma_wait3A_74 : memref<1x32x768xf32, #tpu.memory_space<vmem>> -> memref<32x768xf32, #tpu.memory_space<vmem>>
    %dma_wait3A_76 = arith.constant 0 : i32
    %dma_wait3A_77 = tpu.memref_slice %arg5[%dma_wait3A_76] : memref<256xi32, #tpu.memory_space<vmem>> -> memref<32xi32, #tpu.memory_space<vmem>>
    %dma_wait3A_78 = arith.constant 0 : i32
    %dma_wait3A_79 = arith.constant 0 : i32
    %dma_wait3A_80 = tpu.memref_slice %arg2[%dma_wait3A_78, %dma_wait3A_79] : memref<50257x768xf32, #tpu.memory_space<hbm>> -> memref<50257x768xf32, #tpu.memory_space<hbm>>
    tpu.wait_indirect_dma semaphore(%arg7 : memref<!tpu.dma_semaphore, #tpu.memory_space<semaphore_mem>>) src(%dma_wait3A_80 : memref<50257x768xf32, #tpu.memory_space<hbm>>) dst(%dma_wait3A_75 : memref<32x768xf32, #tpu.memory_space<vmem>>)
    %add3A_81 = arith.constant 0 : i32
    %add3A_82 = arith.addi %mul3A_32, %add3A_81 : i32
    %dma_start3A_83 = arith.constant 0 : i32
    %dma_start3A_84 = arith.constant 0 : i32
    %dma_start3A_85 = arith.constant 0 : i32
    %dma_start3A_86 = tpu.memref_slice %arg6[%dma_start3A_83, %dma_start3A_84, %dma_start3A_85] : memref<4x32x768xf32, #tpu.memory_space<vmem>> -> memref<1x32x768xf32, #tpu.memory_space<vmem>>
    %dma_start3A_87 = tpu.memref_squeeze %dma_start3A_86 : memref<1x32x768xf32, #tpu.memory_space<vmem>> -> memref<32x768xf32, #tpu.memory_space<vmem>>
    %dma_start3A_88 = arith.constant 0 : i32
    %dma_start3A_89 = tpu.memref_slice %arg4[%select_n3A, %add3A_82, %dma_start3A_88] : memref<4x2048x768xf32, #tpu.memory_space<hbm>> -> memref<1x32x768xf32, #tpu.memory_space<hbm>>
    %dma_start3A_90 = tpu.memref_squeeze %dma_start3A_89 : memref<1x32x768xf32, #tpu.memory_space<hbm>> -> memref<32x768xf32, #tpu.memory_space<hbm>>
    %dma_start3A_91 = arith.constant 0 : i32
    %dma_start3A_92 = tpu.memref_slice %arg4[%select_n3A, %add3A_82, %dma_start3A_91] : memref<4x2048x768xf32, #tpu.memory_space<hbm>> -> memref<1x32x768xf32, #tpu.memory_space<hbm>>
    %dma_start3A_93 = tpu.memref_squeeze %dma_start3A_92 : memref<1x32x768xf32, #tpu.memory_space<hbm>> -> memref<32x768xf32, #tpu.memory_space<hbm>>
    %dma_start3A_94 = arith.constant 0 : i32
    %dma_start3A_95 = arith.constant 0 : i32
    %dma_start3A_96 = tpu.memref_slice %arg6[%dma_start3A_83, %dma_start3A_94, %dma_start3A_95] : memref<4x32x768xf32, #tpu.memory_space<vmem>> -> memref<1x32x768xf32, #tpu.memory_space<vmem>>
    %dma_start3A_97 = tpu.memref_squeeze %dma_start3A_96 : memref<1x32x768xf32, #tpu.memory_space<vmem>> -> memref<32x768xf32, #tpu.memory_space<vmem>>
    tpu.enqueue_dma source(%dma_start3A_97 : memref<32x768xf32, #tpu.memory_space<vmem>>) target(%dma_start3A_93 : memref<32x768xf32, #tpu.memory_space<hbm>>) target_semaphore(%arg8 : memref<!tpu.dma_semaphore, #tpu.memory_space<semaphore_mem>>)
    %dma_wait3A_98 = arith.constant 1 : i32
    %dma_wait3A_99 = arith.constant 0 : i32
    %dma_wait3A_100 = arith.constant 0 : i32
    %dma_wait3A_101 = tpu.memref_slice %arg6[%dma_wait3A_98, %dma_wait3A_99, %dma_wait3A_100] : memref<4x32x768xf32, #tpu.memory_space<vmem>> -> memref<1x32x768xf32, #tpu.memory_space<vmem>>
    %dma_wait3A_102 = tpu.memref_squeeze %dma_wait3A_101 : memref<1x32x768xf32, #tpu.memory_space<vmem>> -> memref<32x768xf32, #tpu.memory_space<vmem>>
    %dma_wait3A_103 = arith.constant 32 : i32
    %dma_wait3A_104 = tpu.memref_slice %arg5[%dma_wait3A_103] : memref<256xi32, #tpu.memory_space<vmem>> -> memref<32xi32, #tpu.memory_space<vmem>>
    %dma_wait3A_105 = arith.constant 0 : i32
    %dma_wait3A_106 = arith.constant 0 : i32
    %dma_wait3A_107 = tpu.memref_slice %arg2[%dma_wait3A_105, %dma_wait3A_106] : memref<50257x768xf32, #tpu.memory_space<hbm>> -> memref<50257x768xf32, #tpu.memory_space<hbm>>
    tpu.wait_indirect_dma semaphore(%arg7 : memref<!tpu.dma_semaphore, #tpu.memory_space<semaphore_mem>>) src(%dma_wait3A_107 : memref<50257x768xf32, #tpu.memory_space<hbm>>) dst(%dma_wait3A_102 : memref<32x768xf32, #tpu.memory_space<vmem>>)
    %add3A_108 = arith.constant 32 : i32
    %add3A_109 = arith.addi %mul3A_32, %add3A_108 : i32
    %dma_start3A_110 = arith.constant 1 : i32
    %dma_start3A_111 = arith.constant 0 : i32
    %dma_start3A_112 = arith.constant 0 : i32
    %dma_start3A_113 = tpu.memref_slice %arg6[%dma_start3A_110, %dma_start3A_111, %dma_start3A_112] : memref<4x32x768xf32, #tpu.memory_space<vmem>> -> memref<1x32x768xf32, #tpu.memory_space<vmem>>
    %dma_start3A_114 = tpu.memref_squeeze %dma_start3A_113 : memref<1x32x768xf32, #tpu.memory_space<vmem>> -> memref<32x768xf32, #tpu.memory_space<vmem>>
    %dma_start3A_115 = arith.constant 0 : i32
    %dma_start3A_116 = tpu.memref_slice %arg4[%select_n3A, %add3A_109, %dma_start3A_115] : memref<4x2048x768xf32, #tpu.memory_space<hbm>> -> memref<1x32x768xf32, #tpu.memory_space<hbm>>
    %dma_start3A_117 = tpu.memref_squeeze %dma_start3A_116 : memref<1x32x768xf32, #tpu.memory_space<hbm>> -> memref<32x768xf32, #tpu.memory_space<hbm>>
    %dma_start3A_118 = arith.constant 0 : i32
    %dma_start3A_119 = tpu.memref_slice %arg4[%select_n3A, %add3A_109, %dma_start3A_118] : memref<4x2048x768xf32, #tpu.memory_space<hbm>> -> memref<1x32x768xf32, #tpu.memory_space<hbm>>
    %dma_start3A_120 = tpu.memref_squeeze %dma_start3A_119 : memref<1x32x768xf32, #tpu.memory_space<hbm>> -> memref<32x768xf32, #tpu.memory_space<hbm>>
    %dma_start3A_121 = arith.constant 0 : i32
    %dma_start3A_122 = arith.constant 0 : i32
    %dma_start3A_123 = tpu.memref_slice %arg6[%dma_start3A_110, %dma_start3A_121, %dma_start3A_122] : memref<4x32x768xf32, #tpu.memory_space<vmem>> -> memref<1x32x768xf32, #tpu.memory_space<vmem>>
    %dma_start3A_124 = tpu.memref_squeeze %dma_start3A_123 : memref<1x32x768xf32, #tpu.memory_space<vmem>> -> memref<32x768xf32, #tpu.memory_space<vmem>>
    tpu.enqueue_dma source(%dma_start3A_124 : memref<32x768xf32, #tpu.memory_space<vmem>>) target(%dma_start3A_120 : memref<32x768xf32, #tpu.memory_space<hbm>>) target_semaphore(%arg8 : memref<!tpu.dma_semaphore, #tpu.memory_space<semaphore_mem>>)
    %dma_wait3A_125 = arith.constant 0 : i32
    %dma_wait3A_126 = arith.constant 0 : i32
    %dma_wait3A_127 = arith.constant 0 : i32
    %dma_wait3A_128 = tpu.memref_slice %arg6[%dma_wait3A_125, %dma_wait3A_126, %dma_wait3A_127] : memref<4x32x768xf32, #tpu.memory_space<vmem>> -> memref<1x32x768xf32, #tpu.memory_space<vmem>>
    %dma_wait3A_129 = tpu.memref_squeeze %dma_wait3A_128 : memref<1x32x768xf32, #tpu.memory_space<vmem>> -> memref<32x768xf32, #tpu.memory_space<vmem>>
    %dma_wait3A_130 = arith.constant 0 : i32
    %dma_wait3A_131 = tpu.memref_slice %arg4[%select_n3A, %add3A_82, %dma_wait3A_130] : memref<4x2048x768xf32, #tpu.memory_space<hbm>> -> memref<1x32x768xf32, #tpu.memory_space<hbm>>
    %dma_wait3A_132 = tpu.memref_squeeze %dma_wait3A_131 : memref<1x32x768xf32, #tpu.memory_space<hbm>> -> memref<32x768xf32, #tpu.memory_space<hbm>>
    %dma_wait3A_133 = arith.constant 0 : i32
    %dma_wait3A_134 = tpu.memref_slice %arg4[%select_n3A, %add3A_82, %dma_wait3A_133] : memref<4x2048x768xf32, #tpu.memory_space<hbm>> -> memref<1x32x768xf32, #tpu.memory_space<hbm>>
    %dma_wait3A_135 = tpu.memref_squeeze %dma_wait3A_134 : memref<1x32x768xf32, #tpu.memory_space<hbm>> -> memref<32x768xf32, #tpu.memory_space<hbm>>
    %dma_wait3A_136 = arith.constant 0 : i32
    %dma_wait3A_137 = arith.constant 0 : i32
    %dma_wait3A_138 = tpu.memref_slice %arg6[%dma_wait3A_125, %dma_wait3A_136, %dma_wait3A_137] : memref<4x32x768xf32, #tpu.memory_space<vmem>> -> memref<1x32x768xf32, #tpu.memory_space<vmem>>
    %dma_wait3A_139 = tpu.memref_squeeze %dma_wait3A_138 : memref<1x32x768xf32, #tpu.memory_space<vmem>> -> memref<32x768xf32, #tpu.memory_space<vmem>>
    tpu.wait_dma2 semaphore(%arg8 : memref<!tpu.dma_semaphore, #tpu.memory_space<semaphore_mem>>) src(%dma_wait3A_139 : memref<32x768xf32, #tpu.memory_space<vmem>>) dst(%dma_wait3A_135 : memref<32x768xf32, #tpu.memory_space<hbm>>)
    %dma_start3A_140 = arith.constant 0 : i32
    %dma_start3A_141 = arith.constant 0 : i32
    %dma_start3A_142 = arith.constant 0 : i32
    %dma_start3A_143 = tpu.memref_slice %arg6[%dma_start3A_140, %dma_start3A_141, %dma_start3A_142] : memref<4x32x768xf32, #tpu.memory_space<vmem>> -> memref<1x32x768xf32, #tpu.memory_space<vmem>>
    %dma_start3A_144 = tpu.memref_squeeze %dma_start3A_143 : memref<1x32x768xf32, #tpu.memory_space<vmem>> -> memref<32x768xf32, #tpu.memory_space<vmem>>
    %dma_start3A_145 = arith.constant 128 : i32
    %dma_start3A_146 = tpu.memref_slice %arg5[%dma_start3A_145] : memref<256xi32, #tpu.memory_space<vmem>> -> memref<32xi32, #tpu.memory_space<vmem>>
    %dma_start3A_147 = arith.constant 0 : i32
    %dma_start3A_148 = arith.constant 0 : i32
    %dma_start3A_149 = tpu.memref_slice %arg2[%dma_start3A_147, %dma_start3A_148] : memref<50257x768xf32, #tpu.memory_space<hbm>> -> memref<50257x768xf32, #tpu.memory_space<hbm>>
    tpu.enqueue_indirect_dma source(%dma_start3A_149 : memref<50257x768xf32, #tpu.memory_space<hbm>>) target(%dma_start3A_144 : memref<32x768xf32, #tpu.memory_space<vmem>>) offsets(%dma_start3A_146 : memref<32xi32, #tpu.memory_space<vmem>>) semaphore(%arg7 : memref<!tpu.dma_semaphore, #tpu.memory_space<semaphore_mem>>)
    %dma_wait3A_150 = arith.constant 2 : i32
    %dma_wait3A_151 = arith.constant 0 : i32
    %dma_wait3A_152 = arith.constant 0 : i32
    %dma_wait3A_153 = tpu.memref_slice %arg6[%dma_wait3A_150, %dma_wait3A_151, %dma_wait3A_152] : memref<4x32x768xf32, #tpu.memory_space<vmem>> -> memref<1x32x768xf32, #tpu.memory_space<vmem>>
    %dma_wait3A_154 = tpu.memref_squeeze %dma_wait3A_153 : memref<1x32x768xf32, #tpu.memory_space<vmem>> -> memref<32x768xf32, #tpu.memory_space<vmem>>
    %dma_wait3A_155 = arith.constant 64 : i32
    %dma_wait3A_156 = tpu.memref_slice %arg5[%dma_wait3A_155] : memref<256xi32, #tpu.memory_space<vmem>> -> memref<32xi32, #tpu.memory_space<vmem>>
    %dma_wait3A_157 = arith.constant 0 : i32
    %dma_wait3A_158 = arith.constant 0 : i32
    %dma_wait3A_159 = tpu.memref_slice %arg2[%dma_wait3A_157, %dma_wait3A_158] : memref<50257x768xf32, #tpu.memory_space<hbm>> -> memref<50257x768xf32, #tpu.memory_space<hbm>>
    tpu.wait_indirect_dma semaphore(%arg7 : memref<!tpu.dma_semaphore, #tpu.memory_space<semaphore_mem>>) src(%dma_wait3A_159 : memref<50257x768xf32, #tpu.memory_space<hbm>>) dst(%dma_wait3A_154 : memref<32x768xf32, #tpu.memory_space<vmem>>)
    %add3A_160 = arith.constant 64 : i32
    %add3A_161 = arith.addi %mul3A_32, %add3A_160 : i32
    %dma_start3A_162 = arith.constant 2 : i32
    %dma_start3A_163 = arith.constant 0 : i32
    %dma_start3A_164 = arith.constant 0 : i32
    %dma_start3A_165 = tpu.memref_slice %arg6[%dma_start3A_162, %dma_start3A_163, %dma_start3A_164] : memref<4x32x768xf32, #tpu.memory_space<vmem>> -> memref<1x32x768xf32, #tpu.memory_space<vmem>>
    %dma_start3A_166 = tpu.memref_squeeze %dma_start3A_165 : memref<1x32x768xf32, #tpu.memory_space<vmem>> -> memref<32x768xf32, #tpu.memory_space<vmem>>
    %dma_start3A_167 = arith.constant 0 : i32
    %dma_start3A_168 = tpu.memref_slice %arg4[%select_n3A, %add3A_161, %dma_start3A_167] : memref<4x2048x768xf32, #tpu.memory_space<hbm>> -> memref<1x32x768xf32, #tpu.memory_space<hbm>>
    %dma_start3A_169 = tpu.memref_squeeze %dma_start3A_168 : memref<1x32x768xf32, #tpu.memory_space<hbm>> -> memref<32x768xf32, #tpu.memory_space<hbm>>
    %dma_start3A_170 = arith.constant 0 : i32
    %dma_start3A_171 = tpu.memref_slice %arg4[%select_n3A, %add3A_161, %dma_start3A_170] : memref<4x2048x768xf32, #tpu.memory_space<hbm>> -> memref<1x32x768xf32, #tpu.memory_space<hbm>>
    %dma_start3A_172 = tpu.memref_squeeze %dma_start3A_171 : memref<1x32x768xf32, #tpu.memory_space<hbm>> -> memref<32x768xf32, #tpu.memory_space<hbm>>
    %dma_start3A_173 = arith.constant 0 : i32
    %dma_start3A_174 = arith.constant 0 : i32
    %dma_start3A_175 = tpu.memref_slice %arg6[%dma_start3A_162, %dma_start3A_173, %dma_start3A_174] : memref<4x32x768xf32, #tpu.memory_space<vmem>> -> memref<1x32x768xf32, #tpu.memory_space<vmem>>
    %dma_start3A_176 = tpu.memref_squeeze %dma_start3A_175 : memref<1x32x768xf32, #tpu.memory_space<vmem>> -> memref<32x768xf32, #tpu.memory_space<vmem>>
    tpu.enqueue_dma source(%dma_start3A_176 : memref<32x768xf32, #tpu.memory_space<vmem>>) target(%dma_start3A_172 : memref<32x768xf32, #tpu.memory_space<hbm>>) target_semaphore(%arg8 : memref<!tpu.dma_semaphore, #tpu.memory_space<semaphore_mem>>)
    %dma_wait3A_177 = arith.constant 1 : i32
    %dma_wait3A_178 = arith.constant 0 : i32
    %dma_wait3A_179 = arith.constant 0 : i32
    %dma_wait3A_180 = tpu.memref_slice %arg6[%dma_wait3A_177, %dma_wait3A_178, %dma_wait3A_179] : memref<4x32x768xf32, #tpu.memory_space<vmem>> -> memref<1x32x768xf32, #tpu.memory_space<vmem>>
    %dma_wait3A_181 = tpu.memref_squeeze %dma_wait3A_180 : memref<1x32x768xf32, #tpu.memory_space<vmem>> -> memref<32x768xf32, #tpu.memory_space<vmem>>
    %dma_wait3A_182 = arith.constant 0 : i32
    %dma_wait3A_183 = tpu.memref_slice %arg4[%select_n3A, %add3A_109, %dma_wait3A_182] : memref<4x2048x768xf32, #tpu.memory_space<hbm>> -> memref<1x32x768xf32, #tpu.memory_space<hbm>>
    %dma_wait3A_184 = tpu.memref_squeeze %dma_wait3A_183 : memref<1x32x768xf32, #tpu.memory_space<hbm>> -> memref<32x768xf32, #tpu.memory_space<hbm>>
    %dma_wait3A_185 = arith.constant 0 : i32
    %dma_wait3A_186 = tpu.memref_slice %arg4[%select_n3A, %add3A_109, %dma_wait3A_185] : memref<4x2048x768xf32, #tpu.memory_space<hbm>> -> memref<1x32x768xf32, #tpu.memory_space<hbm>>
    %dma_wait3A_187 = tpu.memref_squeeze %dma_wait3A_186 : memref<1x32x768xf32, #tpu.memory_space<hbm>> -> memref<32x768xf32, #tpu.memory_space<hbm>>
    %dma_wait3A_188 = arith.constant 0 : i32
    %dma_wait3A_189 = arith.constant 0 : i32
    %dma_wait3A_190 = tpu.memref_slice %arg6[%dma_wait3A_177, %dma_wait3A_188, %dma_wait3A_189] : memref<4x32x768xf32, #tpu.memory_space<vmem>> -> memref<1x32x768xf32, #tpu.memory_space<vmem>>
    %dma_wait3A_191 = tpu.memref_squeeze %dma_wait3A_190 : memref<1x32x768xf32, #tpu.memory_space<vmem>> -> memref<32x768xf32, #tpu.memory_space<vmem>>
    tpu.wait_dma2 semaphore(%arg8 : memref<!tpu.dma_semaphore, #tpu.memory_space<semaphore_mem>>) src(%dma_wait3A_191 : memref<32x768xf32, #tpu.memory_space<vmem>>) dst(%dma_wait3A_187 : memref<32x768xf32, #tpu.memory_space<hbm>>)
    %dma_start3A_192 = arith.constant 1 : i32
    %dma_start3A_193 = arith.constant 0 : i32
    %dma_start3A_194 = arith.constant 0 : i32
    %dma_start3A_195 = tpu.memref_slice %arg6[%dma_start3A_192, %dma_start3A_193, %dma_start3A_194] : memref<4x32x768xf32, #tpu.memory_space<vmem>> -> memref<1x32x768xf32, #tpu.memory_space<vmem>>
    %dma_start3A_196 = tpu.memref_squeeze %dma_start3A_195 : memref<1x32x768xf32, #tpu.memory_space<vmem>> -> memref<32x768xf32, #tpu.memory_space<vmem>>
    %dma_start3A_197 = arith.constant 160 : i32
    %dma_start3A_198 = tpu.memref_slice %arg5[%dma_start3A_197] : memref<256xi32, #tpu.memory_space<vmem>> -> memref<32xi32, #tpu.memory_space<vmem>>
    %dma_start3A_199 = arith.constant 0 : i32
    %dma_start3A_200 = arith.constant 0 : i32
    %dma_start3A_201 = tpu.memref_slice %arg2[%dma_start3A_199, %dma_start3A_200] : memref<50257x768xf32, #tpu.memory_space<hbm>> -> memref<50257x768xf32, #tpu.memory_space<hbm>>
    tpu.enqueue_indirect_dma source(%dma_start3A_201 : memref<50257x768xf32, #tpu.memory_space<hbm>>) target(%dma_start3A_196 : memref<32x768xf32, #tpu.memory_space<vmem>>) offsets(%dma_start3A_198 : memref<32xi32, #tpu.memory_space<vmem>>) semaphore(%arg7 : memref<!tpu.dma_semaphore, #tpu.memory_space<semaphore_mem>>)
    %dma_wait3A_202 = arith.constant 3 : i32
    %dma_wait3A_203 = arith.constant 0 : i32
    %dma_wait3A_204 = arith.constant 0 : i32
    %dma_wait3A_205 = tpu.memref_slice %arg6[%dma_wait3A_202, %dma_wait3A_203, %dma_wait3A_204] : memref<4x32x768xf32, #tpu.memory_space<vmem>> -> memref<1x32x768xf32, #tpu.memory_space<vmem>>
    %dma_wait3A_206 = tpu.memref_squeeze %dma_wait3A_205 : memref<1x32x768xf32, #tpu.memory_space<vmem>> -> memref<32x768xf32, #tpu.memory_space<vmem>>
    %dma_wait3A_207 = arith.constant 96 : i32
    %dma_wait3A_208 = tpu.memref_slice %arg5[%dma_wait3A_207] : memref<256xi32, #tpu.memory_space<vmem>> -> memref<32xi32, #tpu.memory_space<vmem>>
    %dma_wait3A_209 = arith.constant 0 : i32
    %dma_wait3A_210 = arith.constant 0 : i32
    %dma_wait3A_211 = tpu.memref_slice %arg2[%dma_wait3A_209, %dma_wait3A_210] : memref<50257x768xf32, #tpu.memory_space<hbm>> -> memref<50257x768xf32, #tpu.memory_space<hbm>>
    tpu.wait_indirect_dma semaphore(%arg7 : memref<!tpu.dma_semaphore, #tpu.memory_space<semaphore_mem>>) src(%dma_wait3A_211 : memref<50257x768xf32, #tpu.memory_space<hbm>>) dst(%dma_wait3A_206 : memref<32x768xf32, #tpu.memory_space<vmem>>)
    %add3A_212 = arith.constant 96 : i32
    %add3A_213 = arith.addi %mul3A_32, %add3A_212 : i32
    %dma_start3A_214 = arith.constant 3 : i32
    %dma_start3A_215 = arith.constant 0 : i32
    %dma_start3A_216 = arith.constant 0 : i32
    %dma_start3A_217 = tpu.memref_slice %arg6[%dma_start3A_214, %dma_start3A_215, %dma_start3A_216] : memref<4x32x768xf32, #tpu.memory_space<vmem>> -> memref<1x32x768xf32, #tpu.memory_space<vmem>>
    %dma_start3A_218 = tpu.memref_squeeze %dma_start3A_217 : memref<1x32x768xf32, #tpu.memory_space<vmem>> -> memref<32x768xf32, #tpu.memory_space<vmem>>
    %dma_start3A_219 = arith.constant 0 : i32
    %dma_start3A_220 = tpu.memref_slice %arg4[%select_n3A, %add3A_213, %dma_start3A_219] : memref<4x2048x768xf32, #tpu.memory_space<hbm>> -> memref<1x32x768xf32, #tpu.memory_space<hbm>>
    %dma_start3A_221 = tpu.memref_squeeze %dma_start3A_220 : memref<1x32x768xf32, #tpu.memory_space<hbm>> -> memref<32x768xf32, #tpu.memory_space<hbm>>
    %dma_start3A_222 = arith.constant 0 : i32
    %dma_start3A_223 = tpu.memref_slice %arg4[%select_n3A, %add3A_213, %dma_start3A_222] : memref<4x2048x768xf32, #tpu.memory_space<hbm>> -> memref<1x32x768xf32, #tpu.memory_space<hbm>>
    %dma_start3A_224 = tpu.memref_squeeze %dma_start3A_223 : memref<1x32x768xf32, #tpu.memory_space<hbm>> -> memref<32x768xf32, #tpu.memory_space<hbm>>
    %dma_start3A_225 = arith.constant 0 : i32
    %dma_start3A_226 = arith.constant 0 : i32
    %dma_start3A_227 = tpu.memref_slice %arg6[%dma_start3A_214, %dma_start3A_225, %dma_start3A_226] : memref<4x32x768xf32, #tpu.memory_space<vmem>> -> memref<1x32x768xf32, #tpu.memory_space<vmem>>
    %dma_start3A_228 = tpu.memref_squeeze %dma_start3A_227 : memref<1x32x768xf32, #tpu.memory_space<vmem>> -> memref<32x768xf32, #tpu.memory_space<vmem>>
    tpu.enqueue_dma source(%dma_start3A_228 : memref<32x768xf32, #tpu.memory_space<vmem>>) target(%dma_start3A_224 : memref<32x768xf32, #tpu.memory_space<hbm>>) target_semaphore(%arg8 : memref<!tpu.dma_semaphore, #tpu.memory_space<semaphore_mem>>)
    %dma_wait3A_229 = arith.constant 2 : i32
    %dma_wait3A_230 = arith.constant 0 : i32
    %dma_wait3A_231 = arith.constant 0 : i32
    %dma_wait3A_232 = tpu.memref_slice %arg6[%dma_wait3A_229, %dma_wait3A_230, %dma_wait3A_231] : memref<4x32x768xf32, #tpu.memory_space<vmem>> -> memref<1x32x768xf32, #tpu.memory_space<vmem>>
    %dma_wait3A_233 = tpu.memref_squeeze %dma_wait3A_232 : memref<1x32x768xf32, #tpu.memory_space<vmem>> -> memref<32x768xf32, #tpu.memory_space<vmem>>
    %dma_wait3A_234 = arith.constant 0 : i32
    %dma_wait3A_235 = tpu.memref_slice %arg4[%select_n3A, %add3A_161, %dma_wait3A_234] : memref<4x2048x768xf32, #tpu.memory_space<hbm>> -> memref<1x32x768xf32, #tpu.memory_space<hbm>>
    %dma_wait3A_236 = tpu.memref_squeeze %dma_wait3A_235 : memref<1x32x768xf32, #tpu.memory_space<hbm>> -> memref<32x768xf32, #tpu.memory_space<hbm>>
    %dma_wait3A_237 = arith.constant 0 : i32
    %dma_wait3A_238 = tpu.memref_slice %arg4[%select_n3A, %add3A_161, %dma_wait3A_237] : memref<4x2048x768xf32, #tpu.memory_space<hbm>> -> memref<1x32x768xf32, #tpu.memory_space<hbm>>
    %dma_wait3A_239 = tpu.memref_squeeze %dma_wait3A_238 : memref<1x32x768xf32, #tpu.memory_space<hbm>> -> memref<32x768xf32, #tpu.memory_space<hbm>>
    %dma_wait3A_240 = arith.constant 0 : i32
    %dma_wait3A_241 = arith.constant 0 : i32
    %dma_wait3A_242 = tpu.memref_slice %arg6[%dma_wait3A_229, %dma_wait3A_240, %dma_wait3A_241] : memref<4x32x768xf32, #tpu.memory_space<vmem>> -> memref<1x32x768xf32, #tpu.memory_space<vmem>>
    %dma_wait3A_243 = tpu.memref_squeeze %dma_wait3A_242 : memref<1x32x768xf32, #tpu.memory_space<vmem>> -> memref<32x768xf32, #tpu.memory_space<vmem>>
    tpu.wait_dma2 semaphore(%arg8 : memref<!tpu.dma_semaphore, #tpu.memory_space<semaphore_mem>>) src(%dma_wait3A_243 : memref<32x768xf32, #tpu.memory_space<vmem>>) dst(%dma_wait3A_239 : memref<32x768xf32, #tpu.memory_space<hbm>>)
    %dma_start3A_244 = arith.constant 2 : i32
    %dma_start3A_245 = arith.constant 0 : i32
    %dma_start3A_246 = arith.constant 0 : i32
    %dma_start3A_247 = tpu.memref_slice %arg6[%dma_start3A_244, %dma_start3A_245, %dma_start3A_246] : memref<4x32x768xf32, #tpu.memory_space<vmem>> -> memref<1x32x768xf32, #tpu.memory_space<vmem>>
    %dma_start3A_248 = tpu.memref_squeeze %dma_start3A_247 : memref<1x32x768xf32, #tpu.memory_space<vmem>> -> memref<32x768xf32, #tpu.memory_space<vmem>>
    %dma_start3A_249 = arith.constant 192 : i32
    %dma_start3A_250 = tpu.memref_slice %arg5[%dma_start3A_249] : memref<256xi32, #tpu.memory_space<vmem>> -> memref<32xi32, #tpu.memory_space<vmem>>
    %dma_start3A_251 = arith.constant 0 : i32
    %dma_start3A_252 = arith.constant 0 : i32
    %dma_start3A_253 = tpu.memref_slice %arg2[%dma_start3A_251, %dma_start3A_252] : memref<50257x768xf32, #tpu.memory_space<hbm>> -> memref<50257x768xf32, #tpu.memory_space<hbm>>
    tpu.enqueue_indirect_dma source(%dma_start3A_253 : memref<50257x768xf32, #tpu.memory_space<hbm>>) target(%dma_start3A_248 : memref<32x768xf32, #tpu.memory_space<vmem>>) offsets(%dma_start3A_250 : memref<32xi32, #tpu.memory_space<vmem>>) semaphore(%arg7 : memref<!tpu.dma_semaphore, #tpu.memory_space<semaphore_mem>>)
    %dma_wait3A_254 = arith.constant 0 : i32
    %dma_wait3A_255 = arith.constant 0 : i32
    %dma_wait3A_256 = arith.constant 0 : i32
    %dma_wait3A_257 = tpu.memref_slice %arg6[%dma_wait3A_254, %dma_wait3A_255, %dma_wait3A_256] : memref<4x32x768xf32, #tpu.memory_space<vmem>> -> memref<1x32x768xf32, #tpu.memory_space<vmem>>
    %dma_wait3A_258 = tpu.memref_squeeze %dma_wait3A_257 : memref<1x32x768xf32, #tpu.memory_space<vmem>> -> memref<32x768xf32, #tpu.memory_space<vmem>>
    %dma_wait3A_259 = arith.constant 128 : i32
    %dma_wait3A_260 = tpu.memref_slice %arg5[%dma_wait3A_259] : memref<256xi32, #tpu.memory_space<vmem>> -> memref<32xi32, #tpu.memory_space<vmem>>
    %dma_wait3A_261 = arith.constant 0 : i32
    %dma_wait3A_262 = arith.constant 0 : i32
    %dma_wait3A_263 = tpu.memref_slice %arg2[%dma_wait3A_261, %dma_wait3A_262] : memref<50257x768xf32, #tpu.memory_space<hbm>> -> memref<50257x768xf32, #tpu.memory_space<hbm>>
    tpu.wait_indirect_dma semaphore(%arg7 : memref<!tpu.dma_semaphore, #tpu.memory_space<semaphore_mem>>) src(%dma_wait3A_263 : memref<50257x768xf32, #tpu.memory_space<hbm>>) dst(%dma_wait3A_258 : memref<32x768xf32, #tpu.memory_space<vmem>>)
    %add3A_264 = arith.constant 128 : i32
    %add3A_265 = arith.addi %mul3A_32, %add3A_264 : i32
    %dma_start3A_266 = arith.constant 0 : i32
    %dma_start3A_267 = arith.constant 0 : i32
    %dma_start3A_268 = arith.constant 0 : i32
    %dma_start3A_269 = tpu.memref_slice %arg6[%dma_start3A_266, %dma_start3A_267, %dma_start3A_268] : memref<4x32x768xf32, #tpu.memory_space<vmem>> -> memref<1x32x768xf32, #tpu.memory_space<vmem>>
    %dma_start3A_270 = tpu.memref_squeeze %dma_start3A_269 : memref<1x32x768xf32, #tpu.memory_space<vmem>> -> memref<32x768xf32, #tpu.memory_space<vmem>>
    %dma_start3A_271 = arith.constant 0 : i32
    %dma_start3A_272 = tpu.memref_slice %arg4[%select_n3A, %add3A_265, %dma_start3A_271] : memref<4x2048x768xf32, #tpu.memory_space<hbm>> -> memref<1x32x768xf32, #tpu.memory_space<hbm>>
    %dma_start3A_273 = tpu.memref_squeeze %dma_start3A_272 : memref<1x32x768xf32, #tpu.memory_space<hbm>> -> memref<32x768xf32, #tpu.memory_space<hbm>>
    %dma_start3A_274 = arith.constant 0 : i32
    %dma_start3A_275 = tpu.memref_slice %arg4[%select_n3A, %add3A_265, %dma_start3A_274] : memref<4x2048x768xf32, #tpu.memory_space<hbm>> -> memref<1x32x768xf32, #tpu.memory_space<hbm>>
    %dma_start3A_276 = tpu.memref_squeeze %dma_start3A_275 : memref<1x32x768xf32, #tpu.memory_space<hbm>> -> memref<32x768xf32, #tpu.memory_space<hbm>>
    %dma_start3A_277 = arith.constant 0 : i32
    %dma_start3A_278 = arith.constant 0 : i32
    %dma_start3A_279 = tpu.memref_slice %arg6[%dma_start3A_266, %dma_start3A_277, %dma_start3A_278] : memref<4x32x768xf32, #tpu.memory_space<vmem>> -> memref<1x32x768xf32, #tpu.memory_space<vmem>>
    %dma_start3A_280 = tpu.memref_squeeze %dma_start3A_279 : memref<1x32x768xf32, #tpu.memory_space<vmem>> -> memref<32x768xf32, #tpu.memory_space<vmem>>
    tpu.enqueue_dma source(%dma_start3A_280 : memref<32x768xf32, #tpu.memory_space<vmem>>) target(%dma_start3A_276 : memref<32x768xf32, #tpu.memory_space<hbm>>) target_semaphore(%arg8 : memref<!tpu.dma_semaphore, #tpu.memory_space<semaphore_mem>>)
    %dma_wait3A_281 = arith.constant 3 : i32
    %dma_wait3A_282 = arith.constant 0 : i32
    %dma_wait3A_283 = arith.constant 0 : i32
    %dma_wait3A_284 = tpu.memref_slice %arg6[%dma_wait3A_281, %dma_wait3A_282, %dma_wait3A_283] : memref<4x32x768xf32, #tpu.memory_space<vmem>> -> memref<1x32x768xf32, #tpu.memory_space<vmem>>
    %dma_wait3A_285 = tpu.memref_squeeze %dma_wait3A_284 : memref<1x32x768xf32, #tpu.memory_space<vmem>> -> memref<32x768xf32, #tpu.memory_space<vmem>>
    %dma_wait3A_286 = arith.constant 0 : i32
    %dma_wait3A_287 = tpu.memref_slice %arg4[%select_n3A, %add3A_213, %dma_wait3A_286] : memref<4x2048x768xf32, #tpu.memory_space<hbm>> -> memref<1x32x768xf32, #tpu.memory_space<hbm>>
    %dma_wait3A_288 = tpu.memref_squeeze %dma_wait3A_287 : memref<1x32x768xf32, #tpu.memory_space<hbm>> -> memref<32x768xf32, #tpu.memory_space<hbm>>
    %dma_wait3A_289 = arith.constant 0 : i32
    %dma_wait3A_290 = tpu.memref_slice %arg4[%select_n3A, %add3A_213, %dma_wait3A_289] : memref<4x2048x768xf32, #tpu.memory_space<hbm>> -> memref<1x32x768xf32, #tpu.memory_space<hbm>>
    %dma_wait3A_291 = tpu.memref_squeeze %dma_wait3A_290 : memref<1x32x768xf32, #tpu.memory_space<hbm>> -> memref<32x768xf32, #tpu.memory_space<hbm>>
    %dma_wait3A_292 = arith.constant 0 : i32
    %dma_wait3A_293 = arith.constant 0 : i32
    %dma_wait3A_294 = tpu.memref_slice %arg6[%dma_wait3A_281, %dma_wait3A_292, %dma_wait3A_293] : memref<4x32x768xf32, #tpu.memory_space<vmem>> -> memref<1x32x768xf32, #tpu.memory_space<vmem>>
    %dma_wait3A_295 = tpu.memref_squeeze %dma_wait3A_294 : memref<1x32x768xf32, #tpu.memory_space<vmem>> -> memref<32x768xf32, #tpu.memory_space<vmem>>
    tpu.wait_dma2 semaphore(%arg8 : memref<!tpu.dma_semaphore, #tpu.memory_space<semaphore_mem>>) src(%dma_wait3A_295 : memref<32x768xf32, #tpu.memory_space<vmem>>) dst(%dma_wait3A_291 : memref<32x768xf32, #tpu.memory_space<hbm>>)
    %dma_start3A_296 = arith.constant 3 : i32
    %dma_start3A_297 = arith.constant 0 : i32
    %dma_start3A_298 = arith.constant 0 : i32
    %dma_start3A_299 = tpu.memref_slice %arg6[%dma_start3A_296, %dma_start3A_297, %dma_start3A_298] : memref<4x32x768xf32, #tpu.memory_space<vmem>> -> memref<1x32x768xf32, #tpu.memory_space<vmem>>
    %dma_start3A_300 = tpu.memref_squeeze %dma_start3A_299 : memref<1x32x768xf32, #tpu.memory_space<vmem>> -> memref<32x768xf32, #tpu.memory_space<vmem>>
    %dma_start3A_301 = arith.constant 224 : i32
    %dma_start3A_302 = tpu.memref_slice %arg5[%dma_start3A_301] : memref<256xi32, #tpu.memory_space<vmem>> -> memref<32xi32, #tpu.memory_space<vmem>>
    %dma_start3A_303 = arith.constant 0 : i32
    %dma_start3A_304 = arith.constant 0 : i32
    %dma_start3A_305 = tpu.memref_slice %arg2[%dma_start3A_303, %dma_start3A_304] : memref<50257x768xf32, #tpu.memory_space<hbm>> -> memref<50257x768xf32, #tpu.memory_space<hbm>>
    tpu.enqueue_indirect_dma source(%dma_start3A_305 : memref<50257x768xf32, #tpu.memory_space<hbm>>) target(%dma_start3A_300 : memref<32x768xf32, #tpu.memory_space<vmem>>) offsets(%dma_start3A_302 : memref<32xi32, #tpu.memory_space<vmem>>) semaphore(%arg7 : memref<!tpu.dma_semaphore, #tpu.memory_space<semaphore_mem>>)
    %dma_wait3A_306 = arith.constant 1 : i32
    %dma_wait3A_307 = arith.constant 0 : i32
    %dma_wait3A_308 = arith.constant 0 : i32
    %dma_wait3A_309 = tpu.memref_slice %arg6[%dma_wait3A_306, %dma_wait3A_307, %dma_wait3A_308] : memref<4x32x768xf32, #tpu.memory_space<vmem>> -> memref<1x32x768xf32, #tpu.memory_space<vmem>>
    %dma_wait3A_310 = tpu.memref_squeeze %dma_wait3A_309 : memref<1x32x768xf32, #tpu.memory_space<vmem>> -> memref<32x768xf32, #tpu.memory_space<vmem>>
    %dma_wait3A_311 = arith.constant 160 : i32
    %dma_wait3A_312 = tpu.memref_slice %arg5[%dma_wait3A_311] : memref<256xi32, #tpu.memory_space<vmem>> -> memref<32xi32, #tpu.memory_space<vmem>>
    %dma_wait3A_313 = arith.constant 0 : i32
    %dma_wait3A_314 = arith.constant 0 : i32
    %dma_wait3A_315 = tpu.memref_slice %arg2[%dma_wait3A_313, %dma_wait3A_314] : memref<50257x768xf32, #tpu.memory_space<hbm>> -> memref<50257x768xf32, #tpu.memory_space<hbm>>
    tpu.wait_indirect_dma semaphore(%arg7 : memref<!tpu.dma_semaphore, #tpu.memory_space<semaphore_mem>>) src(%dma_wait3A_315 : memref<50257x768xf32, #tpu.memory_space<hbm>>) dst(%dma_wait3A_310 : memref<32x768xf32, #tpu.memory_space<vmem>>)
    %add3A_316 = arith.constant 160 : i32
    %add3A_317 = arith.addi %mul3A_32, %add3A_316 : i32
    %dma_start3A_318 = arith.constant 1 : i32
    %dma_start3A_319 = arith.constant 0 : i32
    %dma_start3A_320 = arith.constant 0 : i32
    %dma_start3A_321 = tpu.memref_slice %arg6[%dma_start3A_318, %dma_start3A_319, %dma_start3A_320] : memref<4x32x768xf32, #tpu.memory_space<vmem>> -> memref<1x32x768xf32, #tpu.memory_space<vmem>>
    %dma_start3A_322 = tpu.memref_squeeze %dma_start3A_321 : memref<1x32x768xf32, #tpu.memory_space<vmem>> -> memref<32x768xf32, #tpu.memory_space<vmem>>
    %dma_start3A_323 = arith.constant 0 : i32
    %dma_start3A_324 = tpu.memref_slice %arg4[%select_n3A, %add3A_317, %dma_start3A_323] : memref<4x2048x768xf32, #tpu.memory_space<hbm>> -> memref<1x32x768xf32, #tpu.memory_space<hbm>>
    %dma_start3A_325 = tpu.memref_squeeze %dma_start3A_324 : memref<1x32x768xf32, #tpu.memory_space<hbm>> -> memref<32x768xf32, #tpu.memory_space<hbm>>
    %dma_start3A_326 = arith.constant 0 : i32
    %dma_start3A_327 = tpu.memref_slice %arg4[%select_n3A, %add3A_317, %dma_start3A_326] : memref<4x2048x768xf32, #tpu.memory_space<hbm>> -> memref<1x32x768xf32, #tpu.memory_space<hbm>>
    %dma_start3A_328 = tpu.memref_squeeze %dma_start3A_327 : memref<1x32x768xf32, #tpu.memory_space<hbm>> -> memref<32x768xf32, #tpu.memory_space<hbm>>
    %dma_start3A_329 = arith.constant 0 : i32
    %dma_start3A_330 = arith.constant 0 : i32
    %dma_start3A_331 = tpu.memref_slice %arg6[%dma_start3A_318, %dma_start3A_329, %dma_start3A_330] : memref<4x32x768xf32, #tpu.memory_space<vmem>> -> memref<1x32x768xf32, #tpu.memory_space<vmem>>
    %dma_start3A_332 = tpu.memref_squeeze %dma_start3A_331 : memref<1x32x768xf32, #tpu.memory_space<vmem>> -> memref<32x768xf32, #tpu.memory_space<vmem>>
    tpu.enqueue_dma source(%dma_start3A_332 : memref<32x768xf32, #tpu.memory_space<vmem>>) target(%dma_start3A_328 : memref<32x768xf32, #tpu.memory_space<hbm>>) target_semaphore(%arg8 : memref<!tpu.dma_semaphore, #tpu.memory_space<semaphore_mem>>)
    %dma_wait3A_333 = arith.constant 2 : i32
    %dma_wait3A_334 = arith.constant 0 : i32
    %dma_wait3A_335 = arith.constant 0 : i32
    %dma_wait3A_336 = tpu.memref_slice %arg6[%dma_wait3A_333, %dma_wait3A_334, %dma_wait3A_335] : memref<4x32x768xf32, #tpu.memory_space<vmem>> -> memref<1x32x768xf32, #tpu.memory_space<vmem>>
    %dma_wait3A_337 = tpu.memref_squeeze %dma_wait3A_336 : memref<1x32x768xf32, #tpu.memory_space<vmem>> -> memref<32x768xf32, #tpu.memory_space<vmem>>
    %dma_wait3A_338 = arith.constant 192 : i32
    %dma_wait3A_339 = tpu.memref_slice %arg5[%dma_wait3A_338] : memref<256xi32, #tpu.memory_space<vmem>> -> memref<32xi32, #tpu.memory_space<vmem>>
    %dma_wait3A_340 = arith.constant 0 : i32
    %dma_wait3A_341 = arith.constant 0 : i32
    %dma_wait3A_342 = tpu.memref_slice %arg2[%dma_wait3A_340, %dma_wait3A_341] : memref<50257x768xf32, #tpu.memory_space<hbm>> -> memref<50257x768xf32, #tpu.memory_space<hbm>>
    tpu.wait_indirect_dma semaphore(%arg7 : memref<!tpu.dma_semaphore, #tpu.memory_space<semaphore_mem>>) src(%dma_wait3A_342 : memref<50257x768xf32, #tpu.memory_space<hbm>>) dst(%dma_wait3A_337 : memref<32x768xf32, #tpu.memory_space<vmem>>)
    %add3A_343 = arith.constant 192 : i32
    %add3A_344 = arith.addi %mul3A_32, %add3A_343 : i32
    %dma_start3A_345 = arith.constant 2 : i32
    %dma_start3A_346 = arith.constant 0 : i32
    %dma_start3A_347 = arith.constant 0 : i32
    %dma_start3A_348 = tpu.memref_slice %arg6[%dma_start3A_345, %dma_start3A_346, %dma_start3A_347] : memref<4x32x768xf32, #tpu.memory_space<vmem>> -> memref<1x32x768xf32, #tpu.memory_space<vmem>>
    %dma_start3A_349 = tpu.memref_squeeze %dma_start3A_348 : memref<1x32x768xf32, #tpu.memory_space<vmem>> -> memref<32x768xf32, #tpu.memory_space<vmem>>
    %dma_start3A_350 = arith.constant 0 : i32
    %dma_start3A_351 = tpu.memref_slice %arg4[%select_n3A, %add3A_344, %dma_start3A_350] : memref<4x2048x768xf32, #tpu.memory_space<hbm>> -> memref<1x32x768xf32, #tpu.memory_space<hbm>>
    %dma_start3A_352 = tpu.memref_squeeze %dma_start3A_351 : memref<1x32x768xf32, #tpu.memory_space<hbm>> -> memref<32x768xf32, #tpu.memory_space<hbm>>
    %dma_start3A_353 = arith.constant 0 : i32
    %dma_start3A_354 = tpu.memref_slice %arg4[%select_n3A, %add3A_344, %dma_start3A_353] : memref<4x2048x768xf32, #tpu.memory_space<hbm>> -> memref<1x32x768xf32, #tpu.memory_space<hbm>>
    %dma_start3A_355 = tpu.memref_squeeze %dma_start3A_354 : memref<1x32x768xf32, #tpu.memory_space<hbm>> -> memref<32x768xf32, #tpu.memory_space<hbm>>
    %dma_start3A_356 = arith.constant 0 : i32
    %dma_start3A_357 = arith.constant 0 : i32
    %dma_start3A_358 = tpu.memref_slice %arg6[%dma_start3A_345, %dma_start3A_356, %dma_start3A_357] : memref<4x32x768xf32, #tpu.memory_space<vmem>> -> memref<1x32x768xf32, #tpu.memory_space<vmem>>
    %dma_start3A_359 = tpu.memref_squeeze %dma_start3A_358 : memref<1x32x768xf32, #tpu.memory_space<vmem>> -> memref<32x768xf32, #tpu.memory_space<vmem>>
    tpu.enqueue_dma source(%dma_start3A_359 : memref<32x768xf32, #tpu.memory_space<vmem>>) target(%dma_start3A_355 : memref<32x768xf32, #tpu.memory_space<hbm>>) target_semaphore(%arg8 : memref<!tpu.dma_semaphore, #tpu.memory_space<semaphore_mem>>)
    %dma_wait3A_360 = arith.constant 3 : i32
    %dma_wait3A_361 = arith.constant 0 : i32
    %dma_wait3A_362 = arith.constant 0 : i32
    %dma_wait3A_363 = tpu.memref_slice %arg6[%dma_wait3A_360, %dma_wait3A_361, %dma_wait3A_362] : memref<4x32x768xf32, #tpu.memory_space<vmem>> -> memref<1x32x768xf32, #tpu.memory_space<vmem>>
    %dma_wait3A_364 = tpu.memref_squeeze %dma_wait3A_363 : memref<1x32x768xf32, #tpu.memory_space<vmem>> -> memref<32x768xf32, #tpu.memory_space<vmem>>
    %dma_wait3A_365 = arith.constant 224 : i32
    %dma_wait3A_366 = tpu.memref_slice %arg5[%dma_wait3A_365] : memref<256xi32, #tpu.memory_space<vmem>> -> memref<32xi32, #tpu.memory_space<vmem>>
    %dma_wait3A_367 = arith.constant 0 : i32
    %dma_wait3A_368 = arith.constant 0 : i32
    %dma_wait3A_369 = tpu.memref_slice %arg2[%dma_wait3A_367, %dma_wait3A_368] : memref<50257x768xf32, #tpu.memory_space<hbm>> -> memref<50257x768xf32, #tpu.memory_space<hbm>>
    tpu.wait_indirect_dma semaphore(%arg7 : memref<!tpu.dma_semaphore, #tpu.memory_space<semaphore_mem>>) src(%dma_wait3A_369 : memref<50257x768xf32, #tpu.memory_space<hbm>>) dst(%dma_wait3A_364 : memref<32x768xf32, #tpu.memory_space<vmem>>)
    %add3A_370 = arith.constant 224 : i32
    %add3A_371 = arith.addi %mul3A_32, %add3A_370 : i32
    %dma_start3A_372 = arith.constant 3 : i32
    %dma_start3A_373 = arith.constant 0 : i32
    %dma_start3A_374 = arith.constant 0 : i32
    %dma_start3A_375 = tpu.memref_slice %arg6[%dma_start3A_372, %dma_start3A_373, %dma_start3A_374] : memref<4x32x768xf32, #tpu.memory_space<vmem>> -> memref<1x32x768xf32, #tpu.memory_space<vmem>>
    %dma_start3A_376 = tpu.memref_squeeze %dma_start3A_375 : memref<1x32x768xf32, #tpu.memory_space<vmem>> -> memref<32x768xf32, #tpu.memory_space<vmem>>
    %dma_start3A_377 = arith.constant 0 : i32
    %dma_start3A_378 = tpu.memref_slice %arg4[%select_n3A, %add3A_371, %dma_start3A_377] : memref<4x2048x768xf32, #tpu.memory_space<hbm>> -> memref<1x32x768xf32, #tpu.memory_space<hbm>>
    %dma_start3A_379 = tpu.memref_squeeze %dma_start3A_378 : memref<1x32x768xf32, #tpu.memory_space<hbm>> -> memref<32x768xf32, #tpu.memory_space<hbm>>
    %dma_start3A_380 = arith.constant 0 : i32
    %dma_start3A_381 = tpu.memref_slice %arg4[%select_n3A, %add3A_371, %dma_start3A_380] : memref<4x2048x768xf32, #tpu.memory_space<hbm>> -> memref<1x32x768xf32, #tpu.memory_space<hbm>>
    %dma_start3A_382 = tpu.memref_squeeze %dma_start3A_381 : memref<1x32x768xf32, #tpu.memory_space<hbm>> -> memref<32x768xf32, #tpu.memory_space<hbm>>
    %dma_start3A_383 = arith.constant 0 : i32
    %dma_start3A_384 = arith.constant 0 : i32
    %dma_start3A_385 = tpu.memref_slice %arg6[%dma_start3A_372, %dma_start3A_383, %dma_start3A_384] : memref<4x32x768xf32, #tpu.memory_space<vmem>> -> memref<1x32x768xf32, #tpu.memory_space<vmem>>
    %dma_start3A_386 = tpu.memref_squeeze %dma_start3A_385 : memref<1x32x768xf32, #tpu.memory_space<vmem>> -> memref<32x768xf32, #tpu.memory_space<vmem>>
    tpu.enqueue_dma source(%dma_start3A_386 : memref<32x768xf32, #tpu.memory_space<vmem>>) target(%dma_start3A_382 : memref<32x768xf32, #tpu.memory_space<hbm>>) target_semaphore(%arg8 : memref<!tpu.dma_semaphore, #tpu.memory_space<semaphore_mem>>)
    %dma_wait3A_387 = arith.constant 0 : i32
    %dma_wait3A_388 = arith.constant 0 : i32
    %dma_wait3A_389 = arith.constant 0 : i32
    %dma_wait3A_390 = tpu.memref_slice %arg6[%dma_wait3A_387, %dma_wait3A_388, %dma_wait3A_389] : memref<4x32x768xf32, #tpu.memory_space<vmem>> -> memref<1x32x768xf32, #tpu.memory_space<vmem>>
    %dma_wait3A_391 = tpu.memref_squeeze %dma_wait3A_390 : memref<1x32x768xf32, #tpu.memory_space<vmem>> -> memref<32x768xf32, #tpu.memory_space<vmem>>
    %dma_wait3A_392 = arith.constant 0 : i32
    %dma_wait3A_393 = tpu.memref_slice %arg4[%select_n3A, %add3A_265, %dma_wait3A_392] : memref<4x2048x768xf32, #tpu.memory_space<hbm>> -> memref<1x32x768xf32, #tpu.memory_space<hbm>>
    %dma_wait3A_394 = tpu.memref_squeeze %dma_wait3A_393 : memref<1x32x768xf32, #tpu.memory_space<hbm>> -> memref<32x768xf32, #tpu.memory_space<hbm>>
    %dma_wait3A_395 = arith.constant 0 : i32
    %dma_wait3A_396 = tpu.memref_slice %arg4[%select_n3A, %add3A_265, %dma_wait3A_395] : memref<4x2048x768xf32, #tpu.memory_space<hbm>> -> memref<1x32x768xf32, #tpu.memory_space<hbm>>
    %dma_wait3A_397 = tpu.memref_squeeze %dma_wait3A_396 : memref<1x32x768xf32, #tpu.memory_space<hbm>> -> memref<32x768xf32, #tpu.memory_space<hbm>>
    %dma_wait3A_398 = arith.constant 0 : i32
    %dma_wait3A_399 = arith.constant 0 : i32
    %dma_wait3A_400 = tpu.memref_slice %arg6[%dma_wait3A_387, %dma_wait3A_398, %dma_wait3A_399] : memref<4x32x768xf32, #tpu.memory_space<vmem>> -> memref<1x32x768xf32, #tpu.memory_space<vmem>>
    %dma_wait3A_401 = tpu.memref_squeeze %dma_wait3A_400 : memref<1x32x768xf32, #tpu.memory_space<vmem>> -> memref<32x768xf32, #tpu.memory_space<vmem>>
    tpu.wait_dma2 semaphore(%arg8 : memref<!tpu.dma_semaphore, #tpu.memory_space<semaphore_mem>>) src(%dma_wait3A_401 : memref<32x768xf32, #tpu.memory_space<vmem>>) dst(%dma_wait3A_397 : memref<32x768xf32, #tpu.memory_space<hbm>>)
    %dma_wait3A_402 = arith.constant 1 : i32
    %dma_wait3A_403 = arith.constant 0 : i32
    %dma_wait3A_404 = arith.constant 0 : i32
    %dma_wait3A_405 = tpu.memref_slice %arg6[%dma_wait3A_402, %dma_wait3A_403, %dma_wait3A_404] : memref<4x32x768xf32, #tpu.memory_space<vmem>> -> memref<1x32x768xf32, #tpu.memory_space<vmem>>
    %dma_wait3A_406 = tpu.memref_squeeze %dma_wait3A_405 : memref<1x32x768xf32, #tpu.memory_space<vmem>> -> memref<32x768xf32, #tpu.memory_space<vmem>>
    %dma_wait3A_407 = arith.constant 0 : i32
    %dma_wait3A_408 = tpu.memref_slice %arg4[%select_n3A, %add3A_317, %dma_wait3A_407] : memref<4x2048x768xf32, #tpu.memory_space<hbm>> -> memref<1x32x768xf32, #tpu.memory_space<hbm>>
    %dma_wait3A_409 = tpu.memref_squeeze %dma_wait3A_408 : memref<1x32x768xf32, #tpu.memory_space<hbm>> -> memref<32x768xf32, #tpu.memory_space<hbm>>
    %dma_wait3A_410 = arith.constant 0 : i32
    %dma_wait3A_411 = tpu.memref_slice %arg4[%select_n3A, %add3A_317, %dma_wait3A_410] : memref<4x2048x768xf32, #tpu.memory_space<hbm>> -> memref<1x32x768xf32, #tpu.memory_space<hbm>>
    %dma_wait3A_412 = tpu.memref_squeeze %dma_wait3A_411 : memref<1x32x768xf32, #tpu.memory_space<hbm>> -> memref<32x768xf32, #tpu.memory_space<hbm>>
    %dma_wait3A_413 = arith.constant 0 : i32
    %dma_wait3A_414 = arith.constant 0 : i32
    %dma_wait3A_415 = tpu.memref_slice %arg6[%dma_wait3A_402, %dma_wait3A_413, %dma_wait3A_414] : memref<4x32x768xf32, #tpu.memory_space<vmem>> -> memref<1x32x768xf32, #tpu.memory_space<vmem>>
    %dma_wait3A_416 = tpu.memref_squeeze %dma_wait3A_415 : memref<1x32x768xf32, #tpu.memory_space<vmem>> -> memref<32x768xf32, #tpu.memory_space<vmem>>
    tpu.wait_dma2 semaphore(%arg8 : memref<!tpu.dma_semaphore, #tpu.memory_space<semaphore_mem>>) src(%dma_wait3A_416 : memref<32x768xf32, #tpu.memory_space<vmem>>) dst(%dma_wait3A_412 : memref<32x768xf32, #tpu.memory_space<hbm>>)
    %dma_wait3A_417 = arith.constant 2 : i32
    %dma_wait3A_418 = arith.constant 0 : i32
    %dma_wait3A_419 = arith.constant 0 : i32
    %dma_wait3A_420 = tpu.memref_slice %arg6[%dma_wait3A_417, %dma_wait3A_418, %dma_wait3A_419] : memref<4x32x768xf32, #tpu.memory_space<vmem>> -> memref<1x32x768xf32, #tpu.memory_space<vmem>>
    %dma_wait3A_421 = tpu.memref_squeeze %dma_wait3A_420 : memref<1x32x768xf32, #tpu.memory_space<vmem>> -> memref<32x768xf32, #tpu.memory_space<vmem>>
    %dma_wait3A_422 = arith.constant 0 : i32
    %dma_wait3A_423 = tpu.memref_slice %arg4[%select_n3A, %add3A_344, %dma_wait3A_422] : memref<4x2048x768xf32, #tpu.memory_space<hbm>> -> memref<1x32x768xf32, #tpu.memory_space<hbm>>
    %dma_wait3A_424 = tpu.memref_squeeze %dma_wait3A_423 : memref<1x32x768xf32, #tpu.memory_space<hbm>> -> memref<32x768xf32, #tpu.memory_space<hbm>>
    %dma_wait3A_425 = arith.constant 0 : i32
    %dma_wait3A_426 = tpu.memref_slice %arg4[%select_n3A, %add3A_344, %dma_wait3A_425] : memref<4x2048x768xf32, #tpu.memory_space<hbm>> -> memref<1x32x768xf32, #tpu.memory_space<hbm>>
    %dma_wait3A_427 = tpu.memref_squeeze %dma_wait3A_426 : memref<1x32x768xf32, #tpu.memory_space<hbm>> -> memref<32x768xf32, #tpu.memory_space<hbm>>
    %dma_wait3A_428 = arith.constant 0 : i32
    %dma_wait3A_429 = arith.constant 0 : i32
    %dma_wait3A_430 = tpu.memref_slice %arg6[%dma_wait3A_417, %dma_wait3A_428, %dma_wait3A_429] : memref<4x32x768xf32, #tpu.memory_space<vmem>> -> memref<1x32x768xf32, #tpu.memory_space<vmem>>
    %dma_wait3A_431 = tpu.memref_squeeze %dma_wait3A_430 : memref<1x32x768xf32, #tpu.memory_space<vmem>> -> memref<32x768xf32, #tpu.memory_space<vmem>>
    tpu.wait_dma2 semaphore(%arg8 : memref<!tpu.dma_semaphore, #tpu.memory_space<semaphore_mem>>) src(%dma_wait3A_431 : memref<32x768xf32, #tpu.memory_space<vmem>>) dst(%dma_wait3A_427 : memref<32x768xf32, #tpu.memory_space<hbm>>)
    %dma_wait3A_432 = arith.constant 3 : i32
    %dma_wait3A_433 = arith.constant 0 : i32
    %dma_wait3A_434 = arith.constant 0 : i32
    %dma_wait3A_435 = tpu.memref_slice %arg6[%dma_wait3A_432, %dma_wait3A_433, %dma_wait3A_434] : memref<4x32x768xf32, #tpu.memory_space<vmem>> -> memref<1x32x768xf32, #tpu.memory_space<vmem>>
    %dma_wait3A_436 = tpu.memref_squeeze %dma_wait3A_435 : memref<1x32x768xf32, #tpu.memory_space<vmem>> -> memref<32x768xf32, #tpu.memory_space<vmem>>
    %dma_wait3A_437 = arith.constant 0 : i32
    %dma_wait3A_438 = tpu.memref_slice %arg4[%select_n3A, %add3A_371, %dma_wait3A_437] : memref<4x2048x768xf32, #tpu.memory_space<hbm>> -> memref<1x32x768xf32, #tpu.memory_space<hbm>>
    %dma_wait3A_439 = tpu.memref_squeeze %dma_wait3A_438 : memref<1x32x768xf32, #tpu.memory_space<hbm>> -> memref<32x768xf32, #tpu.memory_space<hbm>>
    %dma_wait3A_440 = arith.constant 0 : i32
    %dma_wait3A_441 = tpu.memref_slice %arg4[%select_n3A, %add3A_371, %dma_wait3A_440] : memref<4x2048x768xf32, #tpu.memory_space<hbm>> -> memref<1x32x768xf32, #tpu.memory_space<hbm>>
    %dma_wait3A_442 = tpu.memref_squeeze %dma_wait3A_441 : memref<1x32x768xf32, #tpu.memory_space<hbm>> -> memref<32x768xf32, #tpu.memory_space<hbm>>
    %dma_wait3A_443 = arith.constant 0 : i32
    %dma_wait3A_444 = arith.constant 0 : i32
    %dma_wait3A_445 = tpu.memref_slice %arg6[%dma_wait3A_432, %dma_wait3A_443, %dma_wait3A_444] : memref<4x32x768xf32, #tpu.memory_space<vmem>> -> memref<1x32x768xf32, #tpu.memory_space<vmem>>
    %dma_wait3A_446 = tpu.memref_squeeze %dma_wait3A_445 : memref<1x32x768xf32, #tpu.memory_space<vmem>> -> memref<32x768xf32, #tpu.memory_space<vmem>>
    tpu.wait_dma2 semaphore(%arg8 : memref<!tpu.dma_semaphore, #tpu.memory_space<semaphore_mem>>) src(%dma_wait3A_446 : memref<32x768xf32, #tpu.memory_space<vmem>>) dst(%dma_wait3A_442 : memref<32x768xf32, #tpu.memory_space<hbm>>)
    return
  }
}

</mosaic_0001>

<sc_bundles>
// kernel: kernel.3.cloned.1.call-start
scs
__scs_entry_jumppad:
0x0: {  	(pc) =	sbr.rel $0x88, $3  }
0x1: {  	(tag) =	ssettag $0x0;
	lr =	simm.s32 $0x1  }
0x2: {  	[smem:$0x3F9F] =	sst lr;
	_ =	strace $0xD0000000  }
0x3: {  	_ = 	snop  }
0x4: {  	_ = 	snop  }
0x5: {  	_ = 	snop  }
0x6: {  	_ = 	snop  }
0x7: {  	_ = 	snop  }
__scs_overlays_trampoline_lowered:
0x8: {  	[smem:$0x3FAE] =	sst s0  }
0x9: {  	[smem:$0x3FAF] =	sst s1  }
0xa: {  	[smem:$0x3FB0] =	sst s2  }
0xb: {  	[smem:$0x3FB1] =	sst s3  }
0xc: {  	[smem:$0x3FB2] =	sst s4  }
0xd: {  	[smem:$0x3FB3] =	sst s5  }
0xe: {  	[smem:$0x3FB4] =	sst s6  }
0xf: {  	[smem:$0x3FB5] =	sst s7  }
0x10: {  	[smem:$0x3FB6] =	sst s8  }
0x11: {  	[smem:$0x3FB7] =	sst s9;
	s0 =	simm.s32 @!p0 $0x0  }
0x12: {  	s1 =	sld [smem:$0x3F9D];
	s0 =	simm.s32 @p0 $0x1  }
0x13: {  	[smem:$0x3FB8] =	sst s0;
	s0 =	simm.s32 @!p1 $0x0  }
0x14: {  	s2 =	sld [smem:$0x3F9C];
	s0 =	simm.s32 @p1 $0x1  }
0x15: {  	[smem:$0x3FB9] =	sst s0;
	s0 =	simm.s32 @!p2 $0x0  }
0x16: {  	s3 =	sld [smem:$0x3FDB];
	s0 =	simm.s32 @p2 $0x1  }
0x17: {  	s4 =	simm.s32 $0x1BF5;
	[smem:$0x3FBB] =	sst s0  }
0x18: {  	s0 =	sld [smem:$0x3F9E];
	_ =	swait.ge [sflag:s4], $0x0  }
0x19: {  	s7 =	sld [smem:$0x3F9F]  }
0x1a: {  	s8 =	sadd.s32 $0xFFFFE003, lr  }
0x1b: {  	s9 =	sadd.s32 $0xFFFFFEF7, lr;
	s5 =	simm.s32 $0xFFFFFFFF;
	p2 =	slt.u32 s8, $0xFFFFF086  }
0x1c: {  	p1 =	slt.u32 s9, $0xF7A;
	s5 =	simm.s32 @!p2 $0x0  }
0x1d: {  	s5 =	simm.s32 @p1 $0x1;
	p0 =	seq.s32 s7, s2  }
0x1e: {  	s7 =	smul.u32 @!p0 $0xF7A, s2;
	p2 =	seq.s32 @!p0 s5, $0x0  }
0x1f: {  	s9 =	smul.u32 $0xF7A, s1;
	s8 =	simm.s32 @!p0 $0x1BF5;
	p2 =	por !p2, p0  }
0x20: {  	[sflag:s8] =	ssyncset.s32 @!p0 $0xFFFFF086;
	s6 =	sadd.s32 @!p0 s3, s7;
	s7 =	simm.s32 @!p0 $0x108  }
0x21: {  	s3 =	sadd.s32 s3, s9;
	s6 =	sadd.s32 @!p0 $0x88, s6;
	s7 =	simm.s32 @p2 $0x1082  }
0x22: {  	[simem:s7], [sflag:s8] =	dma.local @!p0 [hbm:s6], $0xF7A  }
0x23: {  	s9 =	sor.u32 $0xD0000000, s2;
	s6 =	simm.s32 $0x108;
	_ =	swait.ge @!p0 [sflag:s8], $0x0  }
0x24: {  	s3 =	sadd.s32 $0x88, s3;
	s6 =	simm.s32 @!p1 $0x1082;
	[sflag:s4] =	ssyncset.s32 $0xFFFFF086  }
0x25: {  	[simem:s6], [sflag:s4] =	dma.local [hbm:s3], $0xF7A  }
0x26: {  	[smem:$0x3F9F] =	sst s1;
	(tag) =	ssettag s2;
	_ =	strace s9  }
0x27: {  	s1 =	sld [smem:$0x3FAF]  }
0x28: {  	s2 =	sld [smem:$0x3FB0]  }
0x29: {  	s4 =	sld [smem:$0x3FB2]  }
0x2a: {  	p0 =	seq.s32 s5, $0x0;
	s5 =	sld [smem:$0x3FB3]  }
0x2b: {  	s6 =	sld [smem:$0x3FB4]  }
0x2c: {  	s7 =	sld [smem:$0x3FB5]  }
0x2d: {  	s3 =	simm.s32 $0x108;
	s8 =	sld [smem:$0x3FB6]  }
0x2e: {  	s3 =	simm.s32 @!p0 $0x1082;
	s9 =	sld [smem:$0x3FB7]  }
0x2f: {  	lr =	sadd.s32 s0, s3;
	s0 =	sld [smem:$0x3FAE]  }
0x30: {  	s3 =	sld [smem:$0x3FB1]  }
0x31: {  	[smem:$0x3FBA] =	sst s10  }
0x32: {  	s10 =	sld [smem:$0x3FB8];
	_ =	sdelay $0x3  }
0x33: {  	p0 =	seq.s32 s10, $0x1;
	s10 =	sld [smem:$0x3FBA];
	_ =	sdelay $0x3  }
0x34: {  	[smem:$0x3FBA] =	sst s10  }
0x35: {  	s10 =	sld [smem:$0x3FB9];
	_ =	sdelay $0x3  }
0x36: {  	p1 =	seq.s32 s10, $0x1;
	s10 =	sld [smem:$0x3FBA];
	_ =	sdelay $0x3  }
0x37: {  	[smem:$0x3FBA] =	sst s10  }
0x38: {  	s10 =	sld [smem:$0x3FBB]  }
0x39: {  	_ = 	snop;
	(pc) =	sbr.ind lr, $3  }
0x3a: {  	_ = 	snop  }
0x3b: {  	_ = 	snop  }
0x3c: {  	p2 =	seq.s32 s10, $0x1;
	s10 =	sld [smem:$0x3FBA]  }
0x3d: {  	_ =	shalt  }
0x3e: {  	_ =	shalt  }
0x3f: {  	_ =	shalt  }
0x40: {  	_ =	shalt  }
0x41: {  	_ =	shalt  }
0x42: {  	_ =	shalt  }
0x43: {  	_ =	shalt  }
0x44: {  	_ =	shalt  }
0x45: {  	_ =	shalt  }
0x46: {  	_ =	shalt  }
0x47: {  	_ =	shalt  }
0x48: {  	_ =	shalt  }
0x49: {  	_ =	shalt  }
0x4a: {  	_ =	shalt  }
0x4b: {  	_ =	shalt  }
0x4c: {  	_ =	shalt  }
0x4d: {  	_ =	shalt  }
0x4e: {  	_ =	shalt  }
0x4f: {  	_ =	shalt  }
0x50: {  	_ =	shalt  }
0x51: {  	_ =	shalt  }
0x52: {  	_ =	shalt  }
0x53: {  	_ =	shalt  }
0x54: {  	_ =	shalt  }
0x55: {  	_ =	shalt  }
0x56: {  	_ =	shalt  }
0x57: {  	_ =	shalt  }
0x58: {  	_ =	shalt  }
0x59: {  	_ =	shalt  }
0x5a: {  	_ =	shalt  }
0x5b: {  	_ =	shalt  }
0x5c: {  	_ =	shalt  }
0x5d: {  	_ =	shalt  }
0x5e: {  	_ =	shalt  }
0x5f: {  	_ =	shalt  }
0x60: {  	_ =	shalt  }
0x61: {  	_ =	shalt  }
0x62: {  	_ =	shalt  }
0x63: {  	_ =	shalt  }
0x64: {  	_ =	shalt  }
0x65: {  	_ =	shalt  }
0x66: {  	_ =	shalt  }
0x67: {  	_ =	shalt  }
0x68: {  	_ =	shalt  }
0x69: {  	_ =	shalt  }
0x6a: {  	_ =	shalt  }
0x6b: {  	_ =	shalt  }
0x6c: {  	_ =	shalt  }
0x6d: {  	_ =	shalt  }
0x6e: {  	_ =	shalt  }
0x6f: {  	_ =	shalt  }
0x70: {  	_ =	shalt  }
0x71: {  	_ =	shalt  }
0x72: {  	_ =	shalt  }
0x73: {  	_ =	shalt  }
0x74: {  	_ =	shalt  }
0x75: {  	_ =	shalt  }
0x76: {  	_ =	shalt  }
0x77: {  	_ =	shalt  }
0x78: {  	_ =	shalt  }
0x79: {  	_ =	shalt  }
0x7a: {  	_ =	shalt  }
0x7b: {  	_ =	shalt  }
0x7c: {  	_ =	shalt  }
0x7d: {  	_ =	shalt  }
0x7e: {  	_ =	shalt  }
0x7f: {  	_ =	shalt  }
0x80: {  	_ =	shalt  }
0x81: {  	_ =	shalt  }
0x82: {  	_ =	shalt  }
0x83: {  	_ =	shalt  }
0x84: {  	_ =	shalt  }
0x85: {  	_ =	shalt  }
0x86: {  	_ =	shalt  }
0x87: {  	_ =	shalt  }
.Lfunc_end0:
.L_simem_size_0:
called_computation_lowered:
.L_overlay_start_0:
0x88: {  	s2 =	sld [smem:$0x3FD9]  }
0x89: {  	s3 =	sld [smem:$0x3FFE];
	_ =	sdelay $0x1  }
0x8a: {  	s1 =	srdreg.scid  }
0x8b: {  	s0 =	sand.u32 $0x1, s1  }
0x8c: {  	s18 =	sshll.u32 s0, $0xA;
	s2 =	sadd.s32 s3, s2  }
0x8d: {  	s2 =	sadd.s32 s2, s18  }
0x8e: {  	[smem:$0x3FC6] =	sst s2  }
0x8f: {  	_ = 	snop  }
0x90: {  	s2 =	sld [smem:$0x3FC9]  }
0x91: {  	s19 =	sld [smem:$0x3FC8]  }
0x92: {  	s4 =	sld [smem:$0x3FD0];
	(tm) =	ssettm $0x1  }
0x93: {  	s5 =	sld [smem:$0x3FFB];
	_ =	sdelay $0x3  }
0x94: {  	_ =	strace s5  }
0x95: {  	s5 =	sld [smem:$0x3FFC];
	_ =	sdelay $0x3  }
0x96: {  	_ =	strace s5  }
0x97: {  	s5 =	sld [smem:$0x3FFD];
	_ =	sdelay $0x3  }
0x98: {  	_ =	strace s5  }
0x99: {  	_ =	strace $0x8FFFFFFF  }
0x9a: {  	s20 =	sld [smem:$0x3FDB];
	_ =	sdelay $0x1  }
0x9b: {  	s6 =	simm.s32 $_scs_section_size  }
0x9c: {  	s7 =	simm.s32 $_size__tile_overlayer_lowered;
	s8 =	simm.s32 $_tile_overlayer_lowered  }
0x9d: {  	s23 =	simm.s32 $0x1BFF;
	s22 =	sshll.u32 s8, $0x1;
	s5 =	sadd.s32 s6, s20  }
0x9e: {  	s9 =	simm.s32 $0x0;
	s21 =	sshll.u32 s7, $0x1;
	s7 =	sadd.s32 s22, s5  }
0x9f: {  	[timem:s9], [sflag:s23] =	dma.local [hbm:s7], s21  }
0xa0: {  	_ =	swait.ge [sflag:s23], s21  }
0xa1: {  	s6 =	ssub.s32 $0x0, s21;
	[sflag:s23] =	ssyncset.done $0x0  }
0xa2: {  	[sflag:s23] =	ssyncadd.s32 s6;
	_ =	sdelay $0x1  }
0xa3: {  	s24 =	simm.s32 $0x1B8B  }
0xa4: {  	_ =	swait.ge [sflag:s24], $0x1  }
0xa5: {  	[sflag:s24] =	ssyncset.done $0x0  }
0xa6: {  	s25 =	simm.s32 $0x1B8E;
	[sflag:s24] =	ssyncadd.s32 $0xFFFFFFFF  }
0xa7: {  	s26 =	simm.s32 $execute0_lowered;
	[smem:$0x3FD2] =	sst s25  }
0xa8: {  	s6 =	sshll.u32 s26, $0x1;
	_ =	strace $0x80000046;
	[dreg:$0x1] =	wrdreg $0xFFFFFFFF  }
0xa9: {  	s28 =	simm.s32 $_size_execute0_lowered;
	s5 =	sadd.s32 s5, s6;
	[dreg:$0x0] =	wrdreg $0x0  }
0xaa: {  	s6 =	sshll.u32 s28, $0x1;
	[dreg:$0x2] =	wrdreg s5  }
0xab: {  	[dreg:$0x3] =	wrdreg s6  }
0xac: {  	[dreg:$0x4] =	wrdreg $0xC0  }
0xad: {  	_ =	task [dreg:s9], $0x5FFFF  }
0xae: {  	[dreg:$0x1] =	wrdreg $0xFFFFFFFF  }
0xaf: {  	[dreg:$0x0] =	wrdreg $0x60  }
0xb0: {  	[dreg:$0x2] =	wrdreg s19  }
0xb1: {  	[dreg:$0x3] =	wrdreg s2  }
0xb2: {  	[dreg:$0x4] =	wrdreg s4  }
0xb3: {  	[dreg:$0x5] =	wrdreg $0x9  }
0xb4: {  	_ =	task.clear_ibuf [dreg:s9], $0x6FFFF;
	_ =	strace $0x90000046  }
0xb5: {  	s29 =	simm.s32 $0x9;
	_ =	strace $0x80000048  }
0xb6: {  	_ =	swait.ge [sflag:s29], $0x1  }
0xb7: {  	[sflag:s29] =	ssyncadd.s32 $0xFFFFFFFF  }
0xb8: {  	_ =	strace $0x90000048  }
0xb9: {  	_ =	sfence  }
0xba: {  	s30 =	sld [smem:$0x0];
	_ =	sdelay $0x2  }
0xbb: {  	s31 =	sshll.u32 s1, $0xD;
	s1 =	sshrl.u32 s1, $0x2  }
0xbc: {  	s3 =	sand.u32 $0x4000, s31;
	s1 =	sadd.s32 s1, s30  }
0xbd: {  	s0 =	sor.u32 s3, s0;
	s1 =	sshll.u32 s1, $0x11  }
0xbe: {  	s0 =	sor.u32 s1, s0  }
0xbf: {  	s0 =	sadd.s32 $0x8F2B, s0  }
0xc0: {  	[sflag:s0] =	ssyncadd.remote.s32 $0x1  }
0xc1: {  	_ =	sfence.sel $0xFFFF  }
0xc2: {  	[dreg:$0x0] =	wrdreg $0xFFFFFFFF;
	(pc) =	sbr.abs _section_cstart, $3  }
0xc3: {  	[dreg:$0x1] =	wrdreg $0xFFFFFFFF  }
0xc4: {  	_ =	task.clear_ibuf [dreg:s9], $0x2FFFF;
	_ =	strace $0x9FFFFFFF  }
0xc5: {  	(tm) =	ssettm $0x7FFFFFFF  }
tec
execute0_lowered:
.L_overlay_start_1:
0x0: {  	(tag) =	ssettag $0x1  }
0x1: {  	s1 =	rddreg [dreg:$0x0]  }
0x2: {  	s3 =	stileid.u32;
	s5 =	rddreg [dreg:$0x1]  }
0x3: {  	s0 =	srdreg.scid;
	s7 =	rddreg [dreg:$0x2];
	s25 =	simm.s32 $0x80  }
0x4: {  	s26 =	simm.s32 $0x200;
	s13 =	simm.s32 $0x1;
	s14 =	simm.s32 $0x2  }
0x5: {  	s28 =	simm.s32 $0x5100;
	s29 =	simm.s32 $0x5900;
	s10 =	simm.s32 $0x6100  }
0x6: {  	s30 =	simm.s32 $0x6900;
	s31 =	simm.s32 $0x7100;
	s11 =	simm.s32 $0x8900  }
0x7: {  	s12 =	simm.s32 $0x9900;
	s9 =	simm.s32 $0xA900;
	s2 =	sshll.u32 s3, $0x1  }
0x8: {  	s0 =	sand.u32 $0x1, s0;
	s4 =	sshrl.u32 s3, $0x2;
	s2 =	sand.u32 $0x6, s2  }
0x9: {  	s3 =	simm.s32 $0x0;
	s6 =	smul.u32 $0x180000, s4;
	s2 =	sor.u32 s0, s2  }
0xa: {  	[smem:$0x7FF] =	sst s3;
	s4 =	sshll.u32 s4, $0x4;
	s8 =	smul.u32 $0x30000, s2  }
0xb: {  	s4 =	sadd.s32 s5, s4;
	_ =	strace $0x80000047;
	s0 =	ssub.s32 $0x2, s0  }
0xc: {  	[dreg:$0xc] =	wrdreg s25;
	s2 =	sshll.u32 s2, $0x7;
	s6 =	sadd.s32 s6, s8  }
0xd: {  	[dreg:$0xd] =	wrdreg s26;
	s2 =	sadd.s32 s2, s4;
	s15 =	sshrl.u32 s6, $0x3  }
0xe: {  	s5 =	sadd.s32 $0x100, s1;
	[dreg:$0x4] =	wrdreg s2;
	s16 =	sadd.s32 s7, s15  }
0xf: {  	s25 =	simm.s32 $0x4100;
	s17 =	sadd.s32 $0xC00, s16;
	[dreg:$0xe] =	wrdreg s16  }
0x10: {  	s26 =	simm.s32 $0x4900;
	s18 =	sadd.s32 $0x1800, s16;
	[dreg:$0x5] =	wrdreg s17  }
0x11: {  	s23 =	sshrl.u32 s0, $0x1;
	s19 =	sadd.s32 $0x2400, s16;
	[dreg:$0x6] =	wrdreg s18  }
0x12: {  	s0 =	ssub.s32 s0, s23;
	s20 =	sadd.s32 $0x3000, s16;
	[dreg:$0x7] =	wrdreg s19  }
0x13: {  	s23 =	simm.s32 $0xB100;
	s21 =	sadd.s32 $0x3C00, s16;
	[dreg:$0x8] =	wrdreg s20  }
0x14: {  	s8 =	simm.s32 $0xA100;
	s22 =	sadd.s32 $0x4800, s16;
	[dreg:$0x9] =	wrdreg s21  }
0x15: {  	s2 =	simm.s32 $0xC100;
	s24 =	sadd.s32 $0x5400, s16;
	[dreg:$0xa] =	wrdreg s22  }
0x16: {  	v2 =	vlaneseq.u32;
	s6 =	sadd.s32 $0x200, s1;
	s7 =	smax.u32 s0, $0x1;
	[dreg:$0xb] =	wrdreg s24  }
0x17: {  	vm0 =	vmmov $0xffff;
	v1 =	vshrl.u32 v2, $0x3;
	s21 =	simm.s32 $0x100;
	s18 =	simm.s32 $0x1900;
	s19 =	simm.s32 $0x2100  }
0x18: {  	v0 =	vand.u32 $0x7, v2;
	v2 =	vor.u32 $0x8, v2;
	v1 =	vmul.u32 $0x8, v1;
	s20 =	simm.s32 $0x2900;
	s22 =	simm.s32 $0x3100;
	s24 =	simm.s32 $0x3900  }
.LBB2_1:
0x19: {  	s15 =	rddreg [dreg:$0x4]  }
0x1a: {  	s16 =	rddreg [dreg:$0xc]  }
0x1b: {  	s17 =	rddreg [dreg:$0xd];
	s0 =	simm.s32 $0x3  }
0x1c: {  	[tilespmem:s3], [sflag:$0x3] =	stream.strided.gather [hbm4b:s15+s16], $0x100, s17, s16, $0x38;
	[tilespmem:$0x18100] =	vst v63  }
0x1d: {  	_ =	swait.ge [sflag:s0], $0x100  }
0x1e: {  	[sflag:s0] =	ssyncset.done $0x0  }
0x1f: {  	[sflag:s0] =	ssyncadd.s32 $0xFFFFFF00  }
0x20: {  	v3 =	vld [tilespmem:$0x0];
	_ =	sdelay $0x4  }
0x21: {  	v4 =	vshrl.u32 v3, $0x3  }
0x22: {  	v4 =	vmul.u32 $0x30, v4  }
0x23: {  	v3 =	vand.u32 $0x7, v3  }
0x24: {  	v3 =	vor.u32 v3, v4  }
0x25: {  	v4 =	vperm.xlane v3, v0;
	_ =	sdelay $0x1  }
0x26: {  	v4 =	vadd.s32 v1, v4;
	_ =	sdelay $0x3  }
0x27: {  	v3 =	vperm.xlane v3, v2  }
0x28: {  	[tilespmem:s21], [sflag:$0x1] =	stream.indirect_vreg.gather [hbm4b:s1+s3], $0x80, v4, vm0, $0xb8;
	[tilespmem:$0x18100] =	vst v63  }
0x29: {  	s16 =	simm.s32 $0x900;
	v3 =	vadd.s32 v1, v3  }
0x2a: {  	[tilespmem:s16], [sflag:$0x1] =	stream.indirect_vreg.gather [hbm4b:s5+s3], $0x80, v4, vm0, $0xb8;
	[tilespmem:$0x18100] =	vst v63  }
0x2b: {  	s17 =	simm.s32 $0x1100  }
0x2c: {  	[tilespmem:s17], [sflag:$0x1] =	stream.indirect_vreg.gather [hbm4b:s6+s3], $0x80, v4, vm0, $0xb8;
	[tilespmem:$0x18100] =	vst v63  }
0x2d: {  	_ = 	snop  }
0x2e: {  	[tilespmem:s18], [sflag:$0x1] =	stream.indirect_vreg.gather [hbm4b:s1+s3], $0x80, v3, vm0, $0xb8;
	[tilespmem:$0x18100] =	vst v63  }
0x2f: {  	_ = 	snop  }
0x30: {  	[tilespmem:s19], [sflag:$0x1] =	stream.indirect_vreg.gather [hbm4b:s5+s3], $0x80, v3, vm0, $0xb8;
	[tilespmem:$0x18100] =	vst v63  }
0x31: {  	_ = 	snop  }
0x32: {  	[tilespmem:s20], [sflag:$0x1] =	stream.indirect_vreg.gather [hbm4b:s6+s3], $0x80, v3, vm0, $0xb8;
	[tilespmem:$0x18100] =	vst v63  }
0x33: {  	v3 =	vld [tilespmem:$0x10];
	_ =	sdelay $0x4  }
0x34: {  	v49 =	vshrl.u32 v3, $0x3  }
0x35: {  	v4 =	vmul.u32 $0x30, v49  }
0x36: {  	v3 =	vand.u32 $0x7, v3  }
0x37: {  	v3 =	vor.u32 v3, v4  }
0x38: {  	v4 =	vperm.xlane v3, v0;
	_ =	sdelay $0x1  }
0x39: {  	v4 =	vadd.s32 v1, v4;
	_ =	sdelay $0x3  }
0x3a: {  	v3 =	vperm.xlane v3, v2  }
0x3b: {  	[tilespmem:s22], [sflag:$0x1] =	stream.indirect_vreg.gather [hbm4b:s1+s3], $0x80, v4, vm0, $0xb8;
	[tilespmem:$0x18100] =	vst v63  }
0x3c: {  	v3 =	vadd.s32 v1, v3  }
0x3d: {  	[tilespmem:s24], [sflag:$0x1] =	stream.indirect_vreg.gather [hbm4b:s5+s3], $0x80, v4, vm0, $0xb8;
	[tilespmem:$0x18100] =	vst v63  }
0x3e: {  	_ = 	snop  }
0x3f: {  	[tilespmem:s25], [sflag:$0x1] =	stream.indirect_vreg.gather [hbm4b:s6+s3], $0x80, v4, vm0, $0xb8;
	[tilespmem:$0x18100] =	vst v63  }
0x40: {  	_ = 	snop  }
0x41: {  	[tilespmem:s26], [sflag:$0x1] =	stream.indirect_vreg.gather [hbm4b:s1+s3], $0x80, v3, vm0, $0xb8;
	[tilespmem:$0x18100] =	vst v63  }
0x42: {  	_ = 	snop  }
0x43: {  	[tilespmem:s28], [sflag:$0x1] =	stream.indirect_vreg.gather [hbm4b:s5+s3], $0x80, v3, vm0, $0xb8;
	[tilespmem:$0x18100] =	vst v63  }
0x44: {  	_ = 	snop  }
0x45: {  	[tilespmem:s29], [sflag:$0x1] =	stream.indirect_vreg.gather [hbm4b:s6+s3], $0x80, v3, vm0, $0xb8;
	[tilespmem:$0x18100] =	vst v63  }
0x46: {  	v3 =	vld [tilespmem:$0x20];
	_ =	sdelay $0x4  }
0x47: {  	v50 =	vshrl.u32 v3, $0x3  }
0x48: {  	v4 =	vmul.u32 $0x30, v50  }
0x49: {  	v3 =	vand.u32 $0x7, v3  }
0x4a: {  	v3 =	vor.u32 v3, v4  }
0x4b: {  	v4 =	vperm.xlane v3, v0;
	_ =	sdelay $0x1  }
0x4c: {  	v4 =	vadd.s32 v1, v4;
	_ =	sdelay $0x3  }
0x4d: {  	v3 =	vperm.xlane v3, v2  }
0x4e: {  	[tilespmem:s10], [sflag:$0x1] =	stream.indirect_vreg.gather [hbm4b:s1+s3], $0x80, v4, vm0, $0xb8;
	[tilespmem:$0x18100] =	vst v63  }
0x4f: {  	v3 =	vadd.s32 v1, v3  }
0x50: {  	[tilespmem:s30], [sflag:$0x1] =	stream.indirect_vreg.gather [hbm4b:s5+s3], $0x80, v4, vm0, $0xb8;
	[tilespmem:$0x18100] =	vst v63  }
0x51: {  	_ = 	snop  }
0x52: {  	[tilespmem:s31], [sflag:$0x1] =	stream.indirect_vreg.gather [hbm4b:s6+s3], $0x80, v4, vm0, $0xb8;
	[tilespmem:$0x18100] =	vst v63  }
0x53: {  	s15 =	simm.s32 $0x7900  }
0x54: {  	[tilespmem:s15], [sflag:$0x1] =	stream.indirect_vreg.gather [hbm4b:s1+s3], $0x80, v3, vm0, $0xb8;
	[tilespmem:$0x18100] =	vst v63  }
0x55: {  	s4 =	simm.s32 $0x8100  }
0x56: {  	[tilespmem:s4], [sflag:$0x1] =	stream.indirect_vreg.gather [hbm4b:s5+s3], $0x80, v3, vm0, $0xb8;
	[tilespmem:$0x18100] =	vst v63  }
0x57: {  	_ = 	snop  }
0x58: {  	[tilespmem:s11], [sflag:$0x1] =	stream.indirect_vreg.gather [hbm4b:s6+s3], $0x80, v3, vm0, $0xb8;
	[tilespmem:$0x18100] =	vst v63  }
0x59: {  	v3 =	vld [tilespmem:$0x30];
	_ =	sdelay $0x4  }
0x5a: {  	v51 =	vshrl.u32 v3, $0x3  }
0x5b: {  	v4 =	vmul.u32 $0x30, v51  }
0x5c: {  	v3 =	vand.u32 $0x7, v3  }
0x5d: {  	v3 =	vor.u32 v3, v4  }
0x5e: {  	v4 =	vperm.xlane v3, v0;
	_ =	sdelay $0x1  }
0x5f: {  	v4 =	vadd.s32 v1, v4;
	_ =	sdelay $0x3  }
0x60: {  	s4 =	simm.s32 $0x9100;
	v3 =	vperm.xlane v3, v2  }
0x61: {  	[tilespmem:s4], [sflag:$0x1] =	stream.indirect_vreg.gather [hbm4b:s1+s3], $0x80, v4, vm0, $0xb8;
	[tilespmem:$0x18100] =	vst v63  }
0x62: {  	v3 =	vadd.s32 v1, v3  }
0x63: {  	[tilespmem:s12], [sflag:$0x1] =	stream.indirect_vreg.gather [hbm4b:s5+s3], $0x80, v4, vm0, $0xb8;
	[tilespmem:$0x18100] =	vst v63  }
0x64: {  	_ = 	snop  }
0x65: {  	[tilespmem:s8], [sflag:$0x1] =	stream.indirect_vreg.gather [hbm4b:s6+s3], $0x80, v4, vm0, $0xb8;
	[tilespmem:$0x18100] =	vst v63  }
0x66: {  	_ = 	snop  }
0x67: {  	[tilespmem:s9], [sflag:$0x1] =	stream.indirect_vreg.gather [hbm4b:s1+s3], $0x80, v3, vm0, $0xb8;
	[tilespmem:$0x18100] =	vst v63  }
0x68: {  	_ = 	snop  }
0x69: {  	[tilespmem:s23], [sflag:$0x1] =	stream.indirect_vreg.gather [hbm4b:s5+s3], $0x80, v3, vm0, $0xb8;
	[tilespmem:$0x18100] =	vst v63  }
0x6a: {  	s15 =	simm.s32 $0xB900  }
0x6b: {  	[tilespmem:s15], [sflag:$0x1] =	stream.indirect_vreg.gather [hbm4b:s6+s3], $0x80, v3, vm0, $0xb8;
	[tilespmem:$0x18100] =	vst v63  }
0x6c: {  	v3 =	vld [tilespmem:$0x40];
	_ =	sdelay $0x4  }
0x6d: {  	v52 =	vshrl.u32 v3, $0x3  }
0x6e: {  	v4 =	vmul.u32 $0x30, v52  }
0x6f: {  	v3 =	vand.u32 $0x7, v3  }
0x70: {  	v3 =	vor.u32 v3, v4  }
0x71: {  	v4 =	vperm.xlane v3, v0;
	_ =	sdelay $0x1  }
0x72: {  	v4 =	vadd.s32 v1, v4;
	_ =	sdelay $0x3  }
0x73: {  	v3 =	vperm.xlane v3, v2  }
0x74: {  	[tilespmem:s2], [sflag:$0x1] =	stream.indirect_vreg.gather [hbm4b:s1+s3], $0x80, v4, vm0, $0xb8;
	[tilespmem:$0x18100] =	vst v63  }
0x75: {  	s15 =	simm.s32 $0xC900;
	v3 =	vadd.s32 v1, v3  }
0x76: {  	[tilespmem:s15], [sflag:$0x1] =	stream.indirect_vreg.gather [hbm4b:s5+s3], $0x80, v4, vm0, $0xb8;
	[tilespmem:$0x18100] =	vst v63  }
0x77: {  	s15 =	simm.s32 $0xD100  }
0x78: {  	[tilespmem:s15], [sflag:$0x1] =	stream.indirect_vreg.gather [hbm4b:s6+s3], $0x80, v4, vm0, $0xb8;
	[tilespmem:$0x18100] =	vst v63  }
0x79: {  	s15 =	simm.s32 $0xD900  }
0x7a: {  	[tilespmem:s15], [sflag:$0x1] =	stream.indirect_vreg.gather [hbm4b:s1+s3], $0x80, v3, vm0, $0xb8;
	[tilespmem:$0x18100] =	vst v63  }
0x7b: {  	s15 =	simm.s32 $0xE100  }
0x7c: {  	[tilespmem:s15], [sflag:$0x1] =	stream.indirect_vreg.gather [hbm4b:s5+s3], $0x80, v3, vm0, $0xb8;
	[tilespmem:$0x18100] =	vst v63  }
0x7d: {  	s15 =	simm.s32 $0xE900  }
0x7e: {  	[tilespmem:s15], [sflag:$0x1] =	stream.indirect_vreg.gather [hbm4b:s6+s3], $0x80, v3, vm0, $0xb8;
	[tilespmem:$0x18100] =	vst v63  }
0x7f: {  	v3 =	vld [tilespmem:$0x50];
	_ =	sdelay $0x4  }
0x80: {  	v53 =	vshrl.u32 v3, $0x3  }
0x81: {  	v4 =	vmul.u32 $0x30, v53  }
0x82: {  	v3 =	vand.u32 $0x7, v3  }
0x83: {  	v3 =	vor.u32 v3, v4  }
0x84: {  	v4 =	vperm.xlane v3, v0;
	_ =	sdelay $0x1  }
0x85: {  	v4 =	vadd.s32 v1, v4;
	_ =	sdelay $0x3  }
0x86: {  	s15 =	simm.s32 $0xF100;
	v3 =	vperm.xlane v3, v2  }
0x87: {  	[tilespmem:s15], [sflag:$0x1] =	stream.indirect_vreg.gather [hbm4b:s1+s3], $0x80, v4, vm0, $0xb8;
	[tilespmem:$0x18100] =	vst v63  }
0x88: {  	v3 =	vadd.s32 v1, v3;
	s15 =	simm.s32 $0xF900  }
0x89: {  	[tilespmem:s15], [sflag:$0x1] =	stream.indirect_vreg.gather [hbm4b:s5+s3], $0x80, v4, vm0, $0xb8;
	[tilespmem:$0x18100] =	vst v63  }
0x8a: {  	s15 =	simm.s32 $0x10100  }
0x8b: {  	[tilespmem:s15], [sflag:$0x1] =	stream.indirect_vreg.gather [hbm4b:s6+s3], $0x80, v4, vm0, $0xb8;
	[tilespmem:$0x18100] =	vst v63  }
0x8c: {  	s15 =	simm.s32 $0x10900  }
0x8d: {  	[tilespmem:s15], [sflag:$0x1] =	stream.indirect_vreg.gather [hbm4b:s1+s3], $0x80, v3, vm0, $0xb8;
	[tilespmem:$0x18100] =	vst v63  }
0x8e: {  	s15 =	simm.s32 $0x11100  }
0x8f: {  	[tilespmem:s15], [sflag:$0x1] =	stream.indirect_vreg.gather [hbm4b:s5+s3], $0x80, v3, vm0, $0xb8;
	[tilespmem:$0x18100] =	vst v63  }
0x90: {  	s15 =	simm.s32 $0x11900  }
0x91: {  	[tilespmem:s15], [sflag:$0x1] =	stream.indirect_vreg.gather [hbm4b:s6+s3], $0x80, v3, vm0, $0xb8;
	[tilespmem:$0x18100] =	vst v63  }
0x92: {  	v3 =	vld [tilespmem:$0x60];
	_ =	sdelay $0x4  }
0x93: {  	v54 =	vshrl.u32 v3, $0x3  }
0x94: {  	v4 =	vmul.u32 $0x30, v54  }
0x95: {  	v3 =	vand.u32 $0x7, v3  }
0x96: {  	v3 =	vor.u32 v3, v4  }
0x97: {  	v4 =	vperm.xlane v3, v0;
	_ =	sdelay $0x1  }
0x98: {  	v4 =	vadd.s32 v1, v4;
	_ =	sdelay $0x3  }
0x99: {  	s0 =	simm.s32 $0x12100;
	v3 =	vperm.xlane v3, v2  }
0x9a: {  	[tilespmem:s0], [sflag:$0x1] =	stream.indirect_vreg.gather [hbm4b:s1+s3], $0x80, v4, vm0, $0xb8;
	[tilespmem:$0x18100] =	vst v63  }
0x9b: {  	s15 =	simm.s32 $0x12900;
	v3 =	vadd.s32 v1, v3  }
0x9c: {  	[tilespmem:s15], [sflag:$0x1] =	stream.indirect_vreg.gather [hbm4b:s5+s3], $0x80, v4, vm0, $0xb8;
	[tilespmem:$0x18100] =	vst v63  }
0x9d: {  	s15 =	simm.s32 $0x13100  }
0x9e: {  	[tilespmem:s15], [sflag:$0x1] =	stream.indirect_vreg.gather [hbm4b:s6+s3], $0x80, v4, vm0, $0xb8;
	[tilespmem:$0x18100] =	vst v63  }
0x9f: {  	s15 =	simm.s32 $0x13900  }
0xa0: {  	[tilespmem:s15], [sflag:$0x1] =	stream.indirect_vreg.gather [hbm4b:s1+s3], $0x80, v3, vm0, $0xb8;
	[tilespmem:$0x18100] =	vst v63  }
0xa1: {  	s15 =	simm.s32 $0x14100  }
0xa2: {  	[tilespmem:s15], [sflag:$0x1] =	stream.indirect_vreg.gather [hbm4b:s5+s3], $0x80, v3, vm0, $0xb8;
	[tilespmem:$0x18100] =	vst v63  }
0xa3: {  	s15 =	simm.s32 $0x14900  }
0xa4: {  	[tilespmem:s15], [sflag:$0x1] =	stream.indirect_vreg.gather [hbm4b:s6+s3], $0x80, v3, vm0, $0xb8;
	[tilespmem:$0x18100] =	vst v63  }
0xa5: {  	v3 =	vld [tilespmem:$0x70];
	_ =	sdelay $0x4  }
0xa6: {  	v55 =	vshrl.u32 v3, $0x3  }
0xa7: {  	v4 =	vmul.u32 $0x30, v55  }
0xa8: {  	v3 =	vand.u32 $0x7, v3  }
0xa9: {  	v3 =	vor.u32 v3, v4  }
0xaa: {  	v4 =	vperm.xlane v3, v0;
	_ =	sdelay $0x1  }
0xab: {  	v4 =	vadd.s32 v1, v4;
	_ =	sdelay $0x3  }
0xac: {  	s15 =	simm.s32 $0x15100;
	v3 =	vperm.xlane v3, v2  }
0xad: {  	[tilespmem:s15], [sflag:$0x1] =	stream.indirect_vreg.gather [hbm4b:s1+s3], $0x80, v4, vm0, $0xb8;
	[tilespmem:$0x18100] =	vst v63  }
0xae: {  	v3 =	vadd.s32 v1, v3;
	s15 =	simm.s32 $0x15900  }
0xaf: {  	[tilespmem:s15], [sflag:$0x1] =	stream.indirect_vreg.gather [hbm4b:s5+s3], $0x80, v4, vm0, $0xb8;
	[tilespmem:$0x18100] =	vst v63  }
0xb0: {  	s15 =	simm.s32 $0x16100  }
0xb1: {  	[tilespmem:s15], [sflag:$0x1] =	stream.indirect_vreg.gather [hbm4b:s6+s3], $0x80, v4, vm0, $0xb8;
	[tilespmem:$0x18100] =	vst v63  }
0xb2: {  	s15 =	simm.s32 $0x16900  }
0xb3: {  	[tilespmem:s15], [sflag:$0x1] =	stream.indirect_vreg.gather [hbm4b:s1+s3], $0x80, v3, vm0, $0xb8;
	[tilespmem:$0x18100] =	vst v63  }
0xb4: {  	s15 =	simm.s32 $0x17100  }
0xb5: {  	[tilespmem:s15], [sflag:$0x1] =	stream.indirect_vreg.gather [hbm4b:s5+s3], $0x80, v3, vm0, $0xb8;
	[tilespmem:$0x18100] =	vst v63  }
0xb6: {  	s15 =	simm.s32 $0x17900  }
0xb7: {  	[tilespmem:s15], [sflag:$0x1] =	stream.indirect_vreg.gather [hbm4b:s6+s3], $0x80, v3, vm0, $0xb8;
	[tilespmem:$0x18100] =	vst v63  }
0xb8: {  	_ =	swait.ge [sflag:s13], $0x6000  }
0xb9: {  	[sflag:s13] =	ssyncset.done $0x0  }
0xba: {  	s15 =	rddreg [dreg:$0xe];
	[sflag:s13] =	ssyncadd.s32 $0xFFFFA000  }
0xbb: {  	[hbm4b:s15+s3] =	stream.linear.scatter [tilespmem:s21], [sflag:$0x2], $0x6000, $0x38;
	[tilespmem:$0x18100] =	vst v63  }
0xbc: {  	_ =	swait.ge [sflag:s13], $0x6000  }
0xbd: {  	[sflag:s13] =	ssyncset.done $0x0  }
0xbe: {  	s15 =	rddreg [dreg:$0x5];
	[sflag:s13] =	ssyncadd.s32 $0xFFFFA000  }
0xbf: {  	[hbm4b:s15+s3] =	stream.linear.scatter [tilespmem:s10], [sflag:$0x2], $0x6000, $0x38;
	[tilespmem:$0x18100] =	vst v63  }
0xc0: {  	_ =	swait.ge [sflag:s14], $0x6000  }
0xc1: {  	[sflag:s14] =	ssyncset.done $0x0  }
0xc2: {  	[sflag:s14] =	ssyncadd.s32 $0xFFFFA000  }
0xc3: {  	v3 =	vld [tilespmem:$0x80];
	_ =	sdelay $0x4  }
0xc4: {  	v56 =	vshrl.u32 v3, $0x3  }
0xc5: {  	v4 =	vmul.u32 $0x30, v56  }
0xc6: {  	v3 =	vand.u32 $0x7, v3  }
0xc7: {  	v3 =	vor.u32 v3, v4  }
0xc8: {  	v4 =	vperm.xlane v3, v0;
	_ =	sdelay $0x1  }
0xc9: {  	v4 =	vadd.s32 v1, v4;
	_ =	sdelay $0x3  }
0xca: {  	v3 =	vperm.xlane v3, v2  }
0xcb: {  	[tilespmem:s21], [sflag:$0x1] =	stream.indirect_vreg.gather [hbm4b:s1+s3], $0x80, v4, vm0, $0xb8;
	[tilespmem:$0x18100] =	vst v63  }
0xcc: {  	v3 =	vadd.s32 v1, v3  }
0xcd: {  	[tilespmem:s16], [sflag:$0x1] =	stream.indirect_vreg.gather [hbm4b:s5+s3], $0x80, v4, vm0, $0xb8;
	[tilespmem:$0x18100] =	vst v63  }
0xce: {  	_ = 	snop  }
0xcf: {  	[tilespmem:s17], [sflag:$0x1] =	stream.indirect_vreg.gather [hbm4b:s6+s3], $0x80, v4, vm0, $0xb8;
	[tilespmem:$0x18100] =	vst v63  }
0xd0: {  	_ = 	snop  }
0xd1: {  	[tilespmem:s18], [sflag:$0x1] =	stream.indirect_vreg.gather [hbm4b:s1+s3], $0x80, v3, vm0, $0xb8;
	[tilespmem:$0x18100] =	vst v63  }
0xd2: {  	_ = 	snop  }
0xd3: {  	[tilespmem:s19], [sflag:$0x1] =	stream.indirect_vreg.gather [hbm4b:s5+s3], $0x80, v3, vm0, $0xb8;
	[tilespmem:$0x18100] =	vst v63  }
0xd4: {  	_ = 	snop  }
0xd5: {  	[tilespmem:s20], [sflag:$0x1] =	stream.indirect_vreg.gather [hbm4b:s6+s3], $0x80, v3, vm0, $0xb8;
	[tilespmem:$0x18100] =	vst v63  }
0xd6: {  	v3 =	vld [tilespmem:$0x90];
	_ =	sdelay $0x4  }
0xd7: {  	v57 =	vshrl.u32 v3, $0x3  }
0xd8: {  	v4 =	vmul.u32 $0x30, v57  }
0xd9: {  	v3 =	vand.u32 $0x7, v3  }
0xda: {  	v3 =	vor.u32 v3, v4  }
0xdb: {  	v4 =	vperm.xlane v3, v0;
	_ =	sdelay $0x1  }
0xdc: {  	v4 =	vadd.s32 v1, v4;
	_ =	sdelay $0x3  }
0xdd: {  	v3 =	vperm.xlane v3, v2  }
0xde: {  	[tilespmem:s22], [sflag:$0x1] =	stream.indirect_vreg.gather [hbm4b:s1+s3], $0x80, v4, vm0, $0xb8;
	[tilespmem:$0x18100] =	vst v63  }
0xdf: {  	v3 =	vadd.s32 v1, v3  }
0xe0: {  	[tilespmem:s24], [sflag:$0x1] =	stream.indirect_vreg.gather [hbm4b:s5+s3], $0x80, v4, vm0, $0xb8;
	[tilespmem:$0x18100] =	vst v63  }
0xe1: {  	_ = 	snop  }
0xe2: {  	[tilespmem:s25], [sflag:$0x1] =	stream.indirect_vreg.gather [hbm4b:s6+s3], $0x80, v4, vm0, $0xb8;
	[tilespmem:$0x18100] =	vst v63  }
0xe3: {  	_ = 	snop  }
0xe4: {  	[tilespmem:s26], [sflag:$0x1] =	stream.indirect_vreg.gather [hbm4b:s1+s3], $0x80, v3, vm0, $0xb8;
	[tilespmem:$0x18100] =	vst v63  }
0xe5: {  	_ = 	snop  }
0xe6: {  	[tilespmem:s28], [sflag:$0x1] =	stream.indirect_vreg.gather [hbm4b:s5+s3], $0x80, v3, vm0, $0xb8;
	[tilespmem:$0x18100] =	vst v63  }
0xe7: {  	_ = 	snop  }
0xe8: {  	[tilespmem:s29], [sflag:$0x1] =	stream.indirect_vreg.gather [hbm4b:s6+s3], $0x80, v3, vm0, $0xb8;
	[tilespmem:$0x18100] =	vst v63  }
0xe9: {  	_ =	swait.ge [sflag:s13], $0x6000  }
0xea: {  	[sflag:s13] =	ssyncset.done $0x0  }
0xeb: {  	s16 =	rddreg [dreg:$0x6];
	[sflag:s13] =	ssyncadd.s32 $0xFFFFA000  }
0xec: {  	[hbm4b:s16+s3] =	stream.linear.scatter [tilespmem:s2], [sflag:$0x2], $0x6000, $0x38;
	[tilespmem:$0x18100] =	vst v63  }
0xed: {  	_ =	swait.ge [sflag:s14], $0x6000  }
0xee: {  	[sflag:s14] =	ssyncset.done $0x0  }
0xef: {  	[sflag:s14] =	ssyncadd.s32 $0xFFFFA000  }
0xf0: {  	v3 =	vld [tilespmem:$0xA0];
	_ =	sdelay $0x4  }
0xf1: {  	v58 =	vshrl.u32 v3, $0x3  }
0xf2: {  	v4 =	vmul.u32 $0x30, v58  }
0xf3: {  	v3 =	vand.u32 $0x7, v3  }
0xf4: {  	v3 =	vor.u32 v3, v4  }
0xf5: {  	v4 =	vperm.xlane v3, v0;
	_ =	sdelay $0x1  }
0xf6: {  	v4 =	vadd.s32 v1, v4;
	_ =	sdelay $0x3  }
0xf7: {  	v3 =	vperm.xlane v3, v2  }
0xf8: {  	[tilespmem:s10], [sflag:$0x1] =	stream.indirect_vreg.gather [hbm4b:s1+s3], $0x80, v4, vm0, $0xb8;
	[tilespmem:$0x18100] =	vst v63  }
0xf9: {  	v3 =	vadd.s32 v1, v3  }
0xfa: {  	[tilespmem:s30], [sflag:$0x1] =	stream.indirect_vreg.gather [hbm4b:s5+s3], $0x80, v4, vm0, $0xb8;
	[tilespmem:$0x18100] =	vst v63  }
0xfb: {  	_ = 	snop  }
0xfc: {  	[tilespmem:s31], [sflag:$0x1] =	stream.indirect_vreg.gather [hbm4b:s6+s3], $0x80, v4, vm0, $0xb8;
	[tilespmem:$0x18100] =	vst v63  }
0xfd: {  	s17 =	simm.s32 $0x7900  }
0xfe: {  	[tilespmem:s17], [sflag:$0x1] =	stream.indirect_vreg.gather [hbm4b:s1+s3], $0x80, v3, vm0, $0xb8;
	[tilespmem:$0x18100] =	vst v63  }
0xff: {  	s16 =	simm.s32 $0x8100  }
0x100: {  	[tilespmem:s16], [sflag:$0x1] =	stream.indirect_vreg.gather [hbm4b:s5+s3], $0x80, v3, vm0, $0xb8;
	[tilespmem:$0x18100] =	vst v63  }
0x101: {  	_ = 	snop  }
0x102: {  	[tilespmem:s11], [sflag:$0x1] =	stream.indirect_vreg.gather [hbm4b:s6+s3], $0x80, v3, vm0, $0xb8;
	[tilespmem:$0x18100] =	vst v63  }
0x103: {  	v3 =	vld [tilespmem:$0xB0];
	_ =	sdelay $0x4  }
0x104: {  	v59 =	vshrl.u32 v3, $0x3  }
0x105: {  	v4 =	vmul.u32 $0x30, v59  }
0x106: {  	v3 =	vand.u32 $0x7, v3  }
0x107: {  	v3 =	vor.u32 v3, v4  }
0x108: {  	v4 =	vperm.xlane v3, v0;
	_ =	sdelay $0x1  }
0x109: {  	v4 =	vadd.s32 v1, v4;
	_ =	sdelay $0x3  }
0x10a: {  	v3 =	vperm.xlane v3, v2  }
0x10b: {  	[tilespmem:s4], [sflag:$0x1] =	stream.indirect_vreg.gather [hbm4b:s1+s3], $0x80, v4, vm0, $0xb8;
	[tilespmem:$0x18100] =	vst v63  }
0x10c: {  	v3 =	vadd.s32 v1, v3  }
0x10d: {  	[tilespmem:s12], [sflag:$0x1] =	stream.indirect_vreg.gather [hbm4b:s5+s3], $0x80, v4, vm0, $0xb8;
	[tilespmem:$0x18100] =	vst v63  }
0x10e: {  	_ = 	snop  }
0x10f: {  	[tilespmem:s8], [sflag:$0x1] =	stream.indirect_vreg.gather [hbm4b:s6+s3], $0x80, v4, vm0, $0xb8;
	[tilespmem:$0x18100] =	vst v63  }
0x110: {  	_ = 	snop  }
0x111: {  	[tilespmem:s9], [sflag:$0x1] =	stream.indirect_vreg.gather [hbm4b:s1+s3], $0x80, v3, vm0, $0xb8;
	[tilespmem:$0x18100] =	vst v63  }
0x112: {  	_ = 	snop  }
0x113: {  	[tilespmem:s23], [sflag:$0x1] =	stream.indirect_vreg.gather [hbm4b:s5+s3], $0x80, v3, vm0, $0xb8;
	[tilespmem:$0x18100] =	vst v63  }
0x114: {  	s17 =	simm.s32 $0xB900  }
0x115: {  	[tilespmem:s17], [sflag:$0x1] =	stream.indirect_vreg.gather [hbm4b:s6+s3], $0x80, v3, vm0, $0xb8;
	[tilespmem:$0x18100] =	vst v63  }
0x116: {  	_ =	swait.ge [sflag:s13], $0x6000  }
0x117: {  	[sflag:s13] =	ssyncset.done $0x0  }
0x118: {  	s4 =	rddreg [dreg:$0x7];
	[sflag:s13] =	ssyncadd.s32 $0xFFFFA000  }
0x119: {  	[hbm4b:s4+s3] =	stream.linear.scatter [tilespmem:s0], [sflag:$0x2], $0x6000, $0x38;
	[tilespmem:$0x18100] =	vst v63  }
0x11a: {  	_ =	swait.ge [sflag:s14], $0x6000  }
0x11b: {  	[sflag:s14] =	ssyncset.done $0x0  }
0x11c: {  	[sflag:s14] =	ssyncadd.s32 $0xFFFFA000  }
0x11d: {  	v3 =	vld [tilespmem:$0xC0];
	_ =	sdelay $0x4  }
0x11e: {  	v60 =	vshrl.u32 v3, $0x3  }
0x11f: {  	v4 =	vmul.u32 $0x30, v60  }
0x120: {  	v3 =	vand.u32 $0x7, v3  }
0x121: {  	v3 =	vor.u32 v3, v4  }
0x122: {  	v4 =	vperm.xlane v3, v0;
	_ =	sdelay $0x1  }
0x123: {  	v4 =	vadd.s32 v1, v4;
	_ =	sdelay $0x3  }
0x124: {  	v3 =	vperm.xlane v3, v2  }
0x125: {  	[tilespmem:s2], [sflag:$0x1] =	stream.indirect_vreg.gather [hbm4b:s1+s3], $0x80, v4, vm0, $0xb8;
	[tilespmem:$0x18100] =	vst v63  }
0x126: {  	s16 =	simm.s32 $0xC900;
	v3 =	vadd.s32 v1, v3  }
0x127: {  	[tilespmem:s16], [sflag:$0x1] =	stream.indirect_vreg.gather [hbm4b:s5+s3], $0x80, v4, vm0, $0xb8;
	[tilespmem:$0x18100] =	vst v63  }
0x128: {  	s17 =	simm.s32 $0xD100  }
0x129: {  	[tilespmem:s17], [sflag:$0x1] =	stream.indirect_vreg.gather [hbm4b:s6+s3], $0x80, v4, vm0, $0xb8;
	[tilespmem:$0x18100] =	vst v63  }
0x12a: {  	s15 =	simm.s32 $0xD900  }
0x12b: {  	[tilespmem:s15], [sflag:$0x1] =	stream.indirect_vreg.gather [hbm4b:s1+s3], $0x80, v3, vm0, $0xb8;
	[tilespmem:$0x18100] =	vst v63  }
0x12c: {  	s16 =	simm.s32 $0xE100  }
0x12d: {  	[tilespmem:s16], [sflag:$0x1] =	stream.indirect_vreg.gather [hbm4b:s5+s3], $0x80, v3, vm0, $0xb8;
	[tilespmem:$0x18100] =	vst v63  }
0x12e: {  	s17 =	simm.s32 $0xE900  }
0x12f: {  	[tilespmem:s17], [sflag:$0x1] =	stream.indirect_vreg.gather [hbm4b:s6+s3], $0x80, v3, vm0, $0xb8;
	[tilespmem:$0x18100] =	vst v63  }
0x130: {  	v3 =	vld [tilespmem:$0xD0];
	_ =	sdelay $0x4  }
0x131: {  	v61 =	vshrl.u32 v3, $0x3  }
0x132: {  	v4 =	vmul.u32 $0x30, v61  }
0x133: {  	v3 =	vand.u32 $0x7, v3  }
0x134: {  	v3 =	vor.u32 v3, v4  }
0x135: {  	v4 =	vperm.xlane v3, v0;
	_ =	sdelay $0x1  }
0x136: {  	v4 =	vadd.s32 v1, v4;
	_ =	sdelay $0x3  }
0x137: {  	s15 =	simm.s32 $0xF100;
	v3 =	vperm.xlane v3, v2  }
0x138: {  	[tilespmem:s15], [sflag:$0x1] =	stream.indirect_vreg.gather [hbm4b:s1+s3], $0x80, v4, vm0, $0xb8;
	[tilespmem:$0x18100] =	vst v63  }
0x139: {  	s16 =	simm.s32 $0xF900;
	v3 =	vadd.s32 v1, v3  }
0x13a: {  	[tilespmem:s16], [sflag:$0x1] =	stream.indirect_vreg.gather [hbm4b:s5+s3], $0x80, v4, vm0, $0xb8;
	[tilespmem:$0x18100] =	vst v63  }
0x13b: {  	s17 =	simm.s32 $0x10100  }
0x13c: {  	[tilespmem:s17], [sflag:$0x1] =	stream.indirect_vreg.gather [hbm4b:s6+s3], $0x80, v4, vm0, $0xb8;
	[tilespmem:$0x18100] =	vst v63  }
0x13d: {  	s15 =	simm.s32 $0x10900  }
0x13e: {  	[tilespmem:s15], [sflag:$0x1] =	stream.indirect_vreg.gather [hbm4b:s1+s3], $0x80, v3, vm0, $0xb8;
	[tilespmem:$0x18100] =	vst v63  }
0x13f: {  	s16 =	simm.s32 $0x11100  }
0x140: {  	[tilespmem:s16], [sflag:$0x1] =	stream.indirect_vreg.gather [hbm4b:s5+s3], $0x80, v3, vm0, $0xb8;
	[tilespmem:$0x18100] =	vst v63  }
0x141: {  	s17 =	simm.s32 $0x11900  }
0x142: {  	[tilespmem:s17], [sflag:$0x1] =	stream.indirect_vreg.gather [hbm4b:s6+s3], $0x80, v3, vm0, $0xb8;
	[tilespmem:$0x18100] =	vst v63  }
0x143: {  	_ =	swait.ge [sflag:s13], $0x6000  }
0x144: {  	[sflag:s13] =	ssyncset.done $0x0  }
0x145: {  	s4 =	rddreg [dreg:$0x8];
	[sflag:s13] =	ssyncadd.s32 $0xFFFFA000  }
0x146: {  	[hbm4b:s4+s3] =	stream.linear.scatter [tilespmem:s21], [sflag:$0x2], $0x6000, $0x38;
	[tilespmem:$0x18100] =	vst v63  }
0x147: {  	_ =	swait.ge [sflag:s14], $0x6000  }
0x148: {  	[sflag:s14] =	ssyncset.done $0x0  }
0x149: {  	[sflag:s14] =	ssyncadd.s32 $0xFFFFA000  }
0x14a: {  	v3 =	vld [tilespmem:$0xE0];
	_ =	sdelay $0x4  }
0x14b: {  	v62 =	vshrl.u32 v3, $0x3  }
0x14c: {  	v4 =	vmul.u32 $0x30, v62  }
0x14d: {  	v3 =	vand.u32 $0x7, v3  }
0x14e: {  	v3 =	vor.u32 v3, v4  }
0x14f: {  	v4 =	vperm.xlane v3, v0;
	_ =	sdelay $0x1  }
0x150: {  	v4 =	vadd.s32 v1, v4;
	_ =	sdelay $0x3  }
0x151: {  	v3 =	vperm.xlane v3, v2  }
0x152: {  	[tilespmem:s0], [sflag:$0x1] =	stream.indirect_vreg.gather [hbm4b:s1+s3], $0x80, v4, vm0, $0xb8;
	[tilespmem:$0x18100] =	vst v63  }
0x153: {  	s16 =	simm.s32 $0x12900;
	v3 =	vadd.s32 v1, v3  }
0x154: {  	[tilespmem:s16], [sflag:$0x1] =	stream.indirect_vreg.gather [hbm4b:s5+s3], $0x80, v4, vm0, $0xb8;
	[tilespmem:$0x18100] =	vst v63  }
0x155: {  	s17 =	simm.s32 $0x13100  }
0x156: {  	[tilespmem:s17], [sflag:$0x1] =	stream.indirect_vreg.gather [hbm4b:s6+s3], $0x80, v4, vm0, $0xb8;
	[tilespmem:$0x18100] =	vst v63  }
0x157: {  	s15 =	simm.s32 $0x13900  }
0x158: {  	[tilespmem:s15], [sflag:$0x1] =	stream.indirect_vreg.gather [hbm4b:s1+s3], $0x80, v3, vm0, $0xb8;
	[tilespmem:$0x18100] =	vst v63  }
0x159: {  	s16 =	simm.s32 $0x14100  }
0x15a: {  	[tilespmem:s16], [sflag:$0x1] =	stream.indirect_vreg.gather [hbm4b:s5+s3], $0x80, v3, vm0, $0xb8;
	[tilespmem:$0x18100] =	vst v63  }
0x15b: {  	s17 =	simm.s32 $0x14900  }
0x15c: {  	[tilespmem:s17], [sflag:$0x1] =	stream.indirect_vreg.gather [hbm4b:s6+s3], $0x80, v3, vm0, $0xb8;
	[tilespmem:$0x18100] =	vst v63  }
0x15d: {  	v3 =	vld [tilespmem:$0xF0];
	_ =	sdelay $0x4  }
0x15e: {  	v63 =	vshrl.u32 v3, $0x3  }
0x15f: {  	v4 =	vmul.u32 $0x30, v63  }
0x160: {  	v3 =	vand.u32 $0x7, v3  }
0x161: {  	v3 =	vor.u32 v3, v4  }
0x162: {  	v4 =	vperm.xlane v3, v0;
	_ =	sdelay $0x1  }
0x163: {  	v4 =	vadd.s32 v1, v4;
	_ =	sdelay $0x3  }
0x164: {  	s15 =	simm.s32 $0x15100;
	v3 =	vperm.xlane v3, v2  }
0x165: {  	[tilespmem:s15], [sflag:$0x1] =	stream.indirect_vreg.gather [hbm4b:s1+s3], $0x80, v4, vm0, $0xb8;
	[tilespmem:$0x18100] =	vst v63  }
0x166: {  	s16 =	simm.s32 $0x15900;
	v3 =	vadd.s32 v1, v3  }
0x167: {  	[tilespmem:s16], [sflag:$0x1] =	stream.indirect_vreg.gather [hbm4b:s5+s3], $0x80, v4, vm0, $0xb8;
	[tilespmem:$0x18100] =	vst v63  }
0x168: {  	s17 =	simm.s32 $0x16100  }
0x169: {  	[tilespmem:s17], [sflag:$0x1] =	stream.indirect_vreg.gather [hbm4b:s6+s3], $0x80, v4, vm0, $0xb8;
	[tilespmem:$0x18100] =	vst v63  }
0x16a: {  	s15 =	simm.s32 $0x16900  }
0x16b: {  	[tilespmem:s15], [sflag:$0x1] =	stream.indirect_vreg.gather [hbm4b:s1+s3], $0x80, v3, vm0, $0xb8;
	[tilespmem:$0x18100] =	vst v63  }
0x16c: {  	s16 =	simm.s32 $0x17100  }
0x16d: {  	[tilespmem:s16], [sflag:$0x1] =	stream.indirect_vreg.gather [hbm4b:s5+s3], $0x80, v3, vm0, $0xb8;
	[tilespmem:$0x18100] =	vst v63  }
0x16e: {  	s17 =	simm.s32 $0x17900  }
0x16f: {  	[tilespmem:s17], [sflag:$0x1] =	stream.indirect_vreg.gather [hbm4b:s6+s3], $0x80, v3, vm0, $0xb8;
	[tilespmem:$0x18100] =	vst v63  }
0x170: {  	_ =	swait.ge [sflag:s13], $0x6000  }
0x171: {  	[sflag:s13] =	ssyncset.done $0x0  }
0x172: {  	s4 =	rddreg [dreg:$0x9];
	[sflag:s13] =	ssyncadd.s32 $0xFFFFA000  }
0x173: {  	[hbm4b:s4+s3] =	stream.linear.scatter [tilespmem:s10], [sflag:$0x2], $0x6000, $0x38;
	[tilespmem:$0x18100] =	vst v63  }
0x174: {  	_ =	swait.ge [sflag:s13], $0x6000  }
0x175: {  	[sflag:s13] =	ssyncset.done $0x0  }
0x176: {  	s16 =	rddreg [dreg:$0xa];
	[sflag:s13] =	ssyncadd.s32 $0xFFFFA000  }
0x177: {  	[hbm4b:s16+s3] =	stream.linear.scatter [tilespmem:s2], [sflag:$0x2], $0x6000, $0x38;
	[tilespmem:$0x18100] =	vst v63  }
0x178: {  	_ =	swait.ge [sflag:s13], $0x6000  }
0x179: {  	[sflag:s13] =	ssyncset.done $0x0  }
0x17a: {  	s17 =	rddreg [dreg:$0xb];
	[sflag:s13] =	ssyncadd.s32 $0xFFFFA000  }
0x17b: {  	[hbm4b:s17+s3] =	stream.linear.scatter [tilespmem:s0], [sflag:$0x2], $0x6000, $0x38;
	[tilespmem:$0x18100] =	vst v63  }
0x17c: {  	_ =	swait.ge [sflag:s14], $0x6000  }
0x17d: {  	[sflag:s14] =	ssyncset.done $0x0  }
0x17e: {  	[sflag:s14] =	ssyncadd.s32 $0xFFFFA000  }
0x17f: {  	_ =	swait.ge [sflag:s14], $0x6000  }
0x180: {  	[sflag:s14] =	ssyncset.done $0x0  }
0x181: {  	[sflag:s14] =	ssyncadd.s32 $0xFFFFA000  }
0x182: {  	p0 =	sne.s32 s7, $0x1;
	_ =	swait.ge [sflag:s14], $0x6000  }
.Ltmp0:
0x183: {  	[sflag:s14] =	ssyncset.done $0x0;
	(pc) =	sbr.rel @p0 .LBB2_1-.Ltmp0, $4  }
0x184: {  	[sflag:s14] =	ssyncadd.s32 $0xFFFFA000  }
0x185: {  	_ =	swait.ge [sflag:s14], $0x6000  }
0x186: {  	[sflag:s14] =	ssyncset.done $0x0  }
0x187: {  	s7 =	sadd.s32 $0xFFFFFFFF, s7;
	[sflag:s14] =	ssyncadd.s32 $0xFFFFA000  }
0x188: {  	_ =	sfence.sel $0x180000  }
0x189: {  	[bflag:$0x0] =	sbarrier.arrive $0xFFFF  }
0x18a: {  	_ =	strace $0x90000047  }
0x18b: {  	s0 =	stileid.u32;
	[bflag:$0x2] =	sbarrier.arrive $0xFFFF  }
0x18c: {  	p0 =	sne.s32 s0, $0x0;
	s0 =	rddreg [dreg:$0x3]  }
0x18d: {  	s0 =	sadd.s32 @!p0 $0x100000, s0  }
0x18e: {  	[sflag:s0] =	ssyncadd.tile.s32 @!p0 $0x1;
	_ =	shalt  }
.Lfunc_end2:
_tile_overlayer_lowered:
.L_overlay_start_2:
0x18f: {  	(tag) =	ssettag $0x2  }
0x190: {  	s0 =	rddreg [dreg:$0x0];
	s2 =	stileid.u32  }
0x191: {  	s1 =	rddreg [dreg:$0x1];
	p0 =	sne.s32 s2, $0x0  }
0x192: {  	s3 =	rddreg [dreg:$0x2];
	[bflag:$0x3] =	sbarrier.arrive $0xFFFF;
	s2 =	simm.s32 @!p0 $0x1C03  }
0x193: {  	[timem:s3], [sflag:s2] =	dma.local @!p0 [hbm:s0], s1  }
0x194: {  	s0 =	simm.s32 @!p0 $0x3  }
0x195: {  	_ =	swait.ge @!p0 [sflag:s0], s1  }
0x196: {  	s1 =	ssub.s32 @!p0 $0x0, s1;
	[sflag:s0] =	ssyncset.done @!p0 $0x0  }
0x197: {  	[sflag:s0] =	ssyncadd.s32 @!p0 s1  }
0x198: {  	[bflag:$0x3] =	sbarrier.arrive $0xFFFF  }
0x199: {  	_ =	shalt  }

</sc_bundles>
